<compile_context>
chip_gen: v7x
topology: tpu7x:2x2x1
jax: 0.10.2.dev20260603
libtpu: 0.0.44.dev20260713+nightly
codegen_flags: <defaults>
</compile_context>

<pallas_src>
import functools

import jax
import jax.numpy as jnp
from jax import lax
from jax.experimental import pallas as pl
from jax.experimental.pallas import tpu as pltpu
from jax.experimental.pallas import tpu_sc as plsc

N = 10000
E = 320000
F_IN = 128
EMB = 16
H = 143
HP = 144
G = 64
GF = 32
PH = 128
NTYPES = 400

NW = 32
EPW = E // NW
CHUNK = 50
NCHUNK = EPW // CHUNK
IB = 100
NBUF = 4
NB = NCHUNK // IB
NSUB = 16
RPT = N // NSUB

ROWS_BLK = 2000



def _h0_body(x_ref, emb_ref, o_ref):
    x = x_ref[...]
    nt = x[:, 0:1].astype(jnp.int32)
    iota = lax.broadcasted_iota(jnp.int32, (1, NTYPES), 1)
    oh = (nt == iota).astype(jnp.float32)
    sr = lax.broadcasted_iota(jnp.int32, (F_IN, HP), 0)
    sc = lax.broadcasted_iota(jnp.int32, (F_IN, HP), 1)
    s = (sr == sc + 1).astype(jnp.float32)
    tr = lax.broadcasted_iota(jnp.int32, (EMB, HP), 0)
    tc = lax.broadcasted_iota(jnp.int32, (EMB, HP), 1)
    t = (tc == tr + (F_IN - 1)).astype(jnp.float32)
    embg = jnp.dot(oh, emb_ref[...], preferred_element_type=jnp.float32)
    o_ref[...] = (
        jnp.dot(x, s, preferred_element_type=jnp.float32)
        + jnp.dot(embg, t, preferred_element_type=jnp.float32)
    )


def _mlp_block(h, p_ref, w_ref, v_ref):
    v = v_ref[0]
    z = h + p_ref[0] + p_ref[1]
    a = jnp.maximum(
        jnp.dot(z, w_ref[0], preferred_element_type=jnp.float32)
        + v[0:1, :], 0.0
    )
    z2 = jnp.dot(a, w_ref[1], preferred_element_type=jnp.float32) + v[1:2, :]
    mu = jnp.sum(z2, axis=1, keepdims=True) * (1.0 / H)
    var = jnp.sum(z2 * z2, axis=1, keepdims=True) * (1.0 / H) - mu * mu
    zn = (z2 - mu) * lax.rsqrt(var + 1e-5) * v[2:3, :] + v[3:4, :]
    return h + jnp.maximum(zn, 0.0)


def _mlp_body(h_ref, p_ref, w_ref, v_ref, o_ref):
    o_ref[...] = _mlp_block(h_ref[...], p_ref, w_ref, v_ref)


def _pool_body(h_ref, bcol_ref, brow_ref, gf_ref, pw_ref, pv_ref,
               bg2_ref, wcb_ref, wc2_ref, bc2_ref, o_ref):
    h = h_ref[...]
    a = jnp.maximum(
        jnp.dot(h, pw_ref[0], preferred_element_type=jnp.float32)
        + pv_ref[0:1, :], 0.0
    )
    gate = jnp.sum(a * pv_ref[1:2, :], axis=1, keepdims=True) + bg2_ref[...]
    bcol = bcol_ref[...]
    ohb = bcol == lax.broadcasted_iota(jnp.int32, (1, G), 1)
    ohf = ohb.astype(jnp.float32)
    gmax = jnp.max(jnp.where(ohb, gate, -3e38), axis=0, keepdims=True)
    gmax_pn = jnp.sum(ohf * gmax, axis=1, keepdims=True)
    e = jnp.exp(gate - gmax_pn)
    denom = jnp.sum(ohf * e, axis=0, keepdims=True)
    denom_pn = jnp.sum(ohf * denom, axis=1, keepdims=True)
    alpha = e / (denom_pn + 1e-16)
    oht = (brow_ref[...] == lax.broadcasted_iota(jnp.int32, (G, 1), 0)).astype(
        jnp.float32
    )
    pooled = jnp.dot(oht, alpha * h, preferred_element_type=jnp.float32)
    c1 = jnp.maximum(
        jnp.dot(pooled, pw_ref[1], preferred_element_type=jnp.float32)
        + jnp.dot(gf_ref[...], wcb_ref[...], preferred_element_type=jnp.float32)
        + pv_ref[2:3, :],
        0.0,
    )
    o_ref[...] = jnp.dot(c1, wc2_ref[...], preferred_element_type=jnp.float32) + bc2_ref[...]


def _mlp_pool_body(h_ref, p_ref, w_ref, v_ref, bcol_ref, brow_ref, gf_ref,
                   pw_ref, pv_ref, bg2_ref, wcb_ref, wc2_ref, bc2_ref,
                   o_ref, h2_ref):
    i = pl.program_id(0)

    @pl.when(i < N // ROWS_BLK)
    def _():
        h2_ref[pl.ds(i * ROWS_BLK, ROWS_BLK), :] = _mlp_block(
            h_ref[...], p_ref, w_ref, v_ref
        )

    @pl.when(i == N // ROWS_BLK)
    def _():
        _pool_body(h2_ref, bcol_ref, brow_ref, gf_ref, pw_ref, pv_ref,
                   bg2_ref, wcb_ref, wc2_ref, bc2_ref, o_ref)


def _full(shape):
    return pl.BlockSpec(shape, lambda *_: tuple(0 for _ in shape))


def _h0_call(x, emb):
    grid = (N // ROWS_BLK,)
    return pl.pallas_call(
        _h0_body,
        grid=grid,
        in_specs=[
            pl.BlockSpec((ROWS_BLK, F_IN), lambda i: (i, 0)),
            _full((NTYPES, EMB)),
        ],
        out_specs=pl.BlockSpec((ROWS_BLK, HP), lambda i: (i, 0)),
        out_shape=jax.ShapeDtypeStruct((N, HP), jnp.float32),
    )(x, emb)


def _mlp_call(h, p, wstack, vstack, layer):
    grid = (N // ROWS_BLK,)
    return pl.pallas_call(
        _mlp_body,
        grid=grid,
        in_specs=[
            pl.BlockSpec((ROWS_BLK, HP), lambda i: (i, 0)),
            pl.BlockSpec((2, ROWS_BLK, HP), lambda i: (0, i, 0)),
            pl.BlockSpec((2, HP, HP), lambda i: (layer, 0, 0)),
            pl.BlockSpec((1, 4, HP), lambda i: (layer, 0, 0)),
        ],
        out_specs=pl.BlockSpec((ROWS_BLK, HP), lambda i: (i, 0)),
        out_shape=jax.ShapeDtypeStruct((N, HP), jnp.float32),
    )(h, p, wstack, vstack)


def _mlp_pool_call(h, p, wstack, vstack,
                   bcol, brow, gf, pw, pv, bg2, wcb, wc2, bc2):
    nblk = N // ROWS_BLK
    clamp = lambda i: (jnp.minimum(i, nblk - 1), 0)
    clamp3 = lambda i: (0, jnp.minimum(i, nblk - 1), 0)
    return pl.pallas_call(
        _mlp_pool_body,
        grid=(nblk + 1,),
        in_specs=[
            pl.BlockSpec((ROWS_BLK, HP), clamp),
            pl.BlockSpec((2, ROWS_BLK, HP), clamp3),
            pl.BlockSpec((2, HP, HP), lambda i: (1, 0, 0)),
            pl.BlockSpec((1, 4, HP), lambda i: (1, 0, 0)),
            _full((N, 1)),
            _full((1, N)),
            _full((G, GF)),
            _full((2, HP, PH)),
            _full((3, PH)),
            _full((1, 1)),
            _full((GF, PH)),
            _full((PH, 2)),
            _full((1, 2)),
        ],
        out_specs=_full((G, 2)),
        out_shape=jax.ShapeDtypeStruct((G, 2), jnp.float32),
        scratch_shapes=[pltpu.VMEM((N, HP), jnp.float32)],
    )(h, p, wstack, vstack, bcol, brow, gf, pw, pv, bg2, wcb, wc2, bc2)



def _sc_agg_body(h_hbm, src_hbm, dst_hbm, zeros_hbm, out_hbm,
                 src_v, dst_v, rows0, rows1, rows2, rows3, acc_sh,
                 sem0, sem1, sem2, sem3):
    rows = (rows0, rows1, rows2, rows3)
    sems = (sem0, sem1, sem2, sem3)
    c = lax.axis_index("c")
    s = lax.axis_index("s")
    w = c * NSUB + s
    pltpu.sync_copy(zeros_hbm, acc_sh.at[pl.ds(s * RPT, RPT)])
    plsc.subcore_barrier()

    def block(bb, carry):
        base = w * NCHUNK + bb * IB
        pltpu.sync_copy(src_hbm.at[pl.ds(base, IB)], src_v)
        pltpu.sync_copy(dst_hbm.at[pl.ds(base, IB)], dst_v)
        for b in range(NBUF - 1):
            pltpu.async_copy(h_hbm.at[src_v.at[b]], rows[b], sems[b])

        def group(jj, carry2):
            j0 = jj * NBUF
            for b in range(NBUF):
                j = j0 + b
                pltpu.make_async_copy(
                    h_hbm.at[src_v.at[j]], rows[b], sems[b]
                ).wait()
                nxt = j + NBUF - 1
                bn = (b + NBUF - 1) % NBUF

                @pl.when(nxt < IB)
                def _():
                    pltpu.async_copy(
                        h_hbm.at[src_v.at[nxt]], rows[bn], sems[bn]
                    )

                pltpu.sync_copy(rows[b], acc_sh.at[dst_v.at[j]], add=True)
            return carry2

        lax.fori_loop(0, IB // NBUF, group, 0)
        return carry

    lax.fori_loop(0, NB, block, 0)
    plsc.subcore_barrier()
    pltpu.sync_copy(
        acc_sh.at[pl.ds(s * RPT, RPT)],
        out_hbm.at[pl.ds(c * N + s * RPT, RPT)],
    )


@functools.cache
def _sc_agg_kernel():
    mesh = plsc.VectorSubcoreMesh(core_axis_name="c", subcore_axis_name="s")
    return pl.kernel(
        _sc_agg_body,
        out_type=jax.ShapeDtypeStruct((2 * N, HP), jnp.float32),
        mesh=mesh,
        compiler_params=pltpu.CompilerParams(use_tc_tiling_on_sc=False),
        scratch_types=[
            pltpu.VMEM((IB, CHUNK), jnp.int32),
            pltpu.VMEM((IB, CHUNK), jnp.int32),
            pltpu.VMEM((CHUNK, HP), jnp.float32),
            pltpu.VMEM((CHUNK, HP), jnp.float32),
            pltpu.VMEM((CHUNK, HP), jnp.float32),
            pltpu.VMEM((CHUNK, HP), jnp.float32),
            pltpu.VMEM_SHARED((N, HP), jnp.float32),
            pltpu.SemaphoreType.DMA,
            pltpu.SemaphoreType.DMA,
            pltpu.SemaphoreType.DMA,
            pltpu.SemaphoreType.DMA,
        ],
    )



def kernel(x, edge_index, batch, global_features, emb, W1a, b1a, W2a, b2a,
           W1b, b1b, W2b, b2b, ln1g, ln1b, ln2g, ln2b, Wg1, bg1, Wg2, bg2,
           Wc1, bc1, Wc2, bc2):
    f32 = jnp.float32

    wstack = jnp.pad(
        jnp.stack([W1a, W2a, W1b, W2b]), ((0, 0), (0, HP - H), (0, HP - H))
    )
    vstack = jnp.pad(
        jnp.stack([b1a, b2a, ln1g, ln1b, b1b, b2b, ln2g, ln2b]).reshape(2, 4, H),
        ((0, 0), (0, 0), (0, HP - H)),
    )
    pw = jnp.pad(jnp.stack([Wg1, Wc1[:H]]), ((0, 0), (0, HP - H), (0, 0)))
    pv = jnp.stack([bg1, Wg2[:, 0], bc1])
    wcb = Wc1[H:]
    bg2_ = bg2.reshape(1, 1)
    bc2_ = bc2.reshape(1, 2)

    src3 = edge_index[0].reshape(NW * NCHUNK, CHUNK)
    dst3 = edge_index[1].reshape(NW * NCHUNK, CHUNK)
    zeros_chunk = jnp.zeros((RPT, HP), f32)
    bcol = batch.reshape(N, 1)
    brow = batch.reshape(1, N)

    sc_agg = _sc_agg_kernel()

    h0 = _h0_call(x, emb)
    p1 = sc_agg(h0, src3, dst3, zeros_chunk).reshape(2, N, HP)
    h1 = _mlp_call(h0, p1, wstack, vstack, 0)
    p2 = sc_agg(h1, src3, dst3, zeros_chunk).reshape(2, N, HP)
    return _mlp_pool_call(h1, p2, wstack, vstack,
                          bcol, brow, global_features, pw, pv, bg2_,
                          wcb, Wc2, bc2_)

# --- scband reference (transcript-rebuilt; emitter-appended) ---
"""Pipeline reference for scband-gincombined-13262859010607 (READ-ONLY COPY).

The authoritative reference and input builder live on the scoring server;
editing this copy changes nothing except your own understanding.
"""

import jax, jax.numpy as jnp
import numpy as np

N = 10000
E = 320000
F_IN = 128
EMB = 16
H = 143  # = F_IN - 1 + EMB; required so residual x = x + x_ type-checks
G = 64
GF = 32
PH = 128
NTYPES = 400

def _w(key, shape, fan_in):
    return jax.random.normal(key, shape, dtype=jnp.float32) * (1.0 / np.sqrt(fan_in))

def setup_inputs(seed: int = 0):
    key = jax.random.key(seed)
    ks = jax.random.split(key, 16)
    inp = {}
    inp["x"] = jax.random.uniform(ks[0], (N, F_IN), dtype=jnp.float32)
    inp["edge_index"] = jax.random.randint(ks[1], (2, E), 0, N, dtype=jnp.int32)
    inp["batch"] = jnp.sort(jax.random.randint(ks[2], (N,), 0, G, dtype=jnp.int32))
    inp["global_features"] = jax.random.normal(ks[3], (G, GF), dtype=jnp.float32)
    inp["emb"] = jax.random.normal(ks[4], (NTYPES, EMB), dtype=jnp.float32) * 0.05
    inp["W1a"] = _w(ks[5], (H, H), H); inp["b1a"] = jnp.zeros((H,), jnp.float32)
    inp["W2a"] = _w(ks[6], (H, H), H); inp["b2a"] = jnp.zeros((H,), jnp.float32)
    inp["W1b"] = _w(ks[7], (H, H), H); inp["b1b"] = jnp.zeros((H,), jnp.float32)
    inp["W2b"] = _w(ks[8], (H, H), H); inp["b2b"] = jnp.zeros((H,), jnp.float32)
    inp["ln1g"] = jnp.ones((H,), jnp.float32); inp["ln1b"] = jnp.zeros((H,), jnp.float32)
    inp["ln2g"] = jnp.ones((H,), jnp.float32); inp["ln2b"] = jnp.zeros((H,), jnp.float32)
    inp["Wg1"] = _w(ks[9], (H, PH), H); inp["bg1"] = jnp.zeros((PH,), jnp.float32)
    inp["Wg2"] = _w(ks[10], (PH, 1), PH); inp["bg2"] = jnp.zeros((1,), jnp.float32)
    inp["Wc1"] = _w(ks[11], (H + GF, PH), H + GF); inp["bc1"] = jnp.zeros((PH,), jnp.float32)
    inp["Wc2"] = _w(ks[12], (PH, 2), PH); inp["bc2"] = jnp.zeros((2,), jnp.float32)
    return inp

def _layer_norm(h, g, b):
    mu = jnp.mean(h, axis=-1, keepdims=True)
    var = jnp.var(h, axis=-1, keepdims=True)
    return (h - mu) / jnp.sqrt(var + 1e-5) * g + b

def _forward(x, global_features, emb, W1a, b1a, W2a, b2a, W1b, b1b, W2b, b2b, ln1g, ln1b, ln2g, ln2b, Wg1, bg1, Wg2, bg2, Wc1, bc1, Wc2, bc2, edge_index, batch):
    node_types = jax.lax.stop_gradient(x[:, 0]).astype(jnp.int32)
    h = jnp.concatenate([x[:, 1:], jnp.take(emb, node_types, axis=0)], axis=1)
    src = edge_index[0]; dst = edge_index[1]
    # GIN layer 1 (eps=0, eval-mode dropout = identity)
    agg = jax.ops.segment_sum(jnp.take(h, src, axis=0), dst, num_segments=N)
    z = h + agg
    z = jnp.maximum(z @ W1a + b1a, 0.0) @ W2a + b2a
    z = _layer_norm(z, ln1g, ln1b)
    h = h + jnp.maximum(z, 0.0)
    # GIN layer 2
    agg = jax.ops.segment_sum(jnp.take(h, src, axis=0), dst, num_segments=N)
    z = h + agg
    z = jnp.maximum(z @ W1b + b1b, 0.0) @ W2b + b2b
    z = _layer_norm(z, ln2g, ln2b)
    h = h + jnp.maximum(z, 0.0)
    # AttentionalAggregation: per-graph softmax gate
    gate = jnp.maximum(h @ Wg1 + bg1, 0.0) @ Wg2 + bg2  # [N, 1]
    gmax = jax.ops.segment_max(gate, batch, num_segments=G)
    gate = gate - jax.lax.stop_gradient(jnp.take(gmax, batch, axis=0))
    egate = jnp.exp(gate)
    denom = jax.ops.segment_sum(egate, batch, num_segments=G)
    alpha = egate / (jnp.take(denom, batch, axis=0) + 1e-16)
    pooled = jax.ops.segment_sum(alpha * h, batch, num_segments=G)
    comb = jnp.concatenate([pooled, global_features], axis=1)
    out = jnp.maximum(comb @ Wc1 + bc1, 0.0) @ Wc2 + bc2
    return out

def reference(x, edge_index, batch, global_features, emb, W1a, b1a, W2a, b2a, W1b, b1b, W2b, b2b, ln1g, ln1b, ln2g, ln2b, Wg1, bg1, Wg2, bg2, Wc1, bc1, Wc2, bc2):
    return _forward(x, global_features, emb, W1a, b1a, W2a, b2a, W1b, b1b, W2b, b2b, ln1g, ln1b, ln2g, ln2b, Wg1, bg1, Wg2, bg2, Wc1, bc1, Wc2, bc2, edge_index, batch)

if __name__ == "__main__":
    import jax
    _d = setup_inputs()
    print(jax.jit(kernel)(*tuple(_d.values())))

</pallas_src>

<mosaic_0001>
#map = affine_map<(d0, d1) -> (0, 0)>
module attributes {stable_mosaic.version = 14 : i64} {
  func.func @_sc_agg_body(%arg0: i32, %arg1: i32, %arg2: memref<10000x144xf32, #tpu.memory_space<hbm>>, %arg3: memref<6400x50xi32, #tpu.memory_space<hbm>>, %arg4: memref<6400x50xi32, #tpu.memory_space<hbm>>, %arg5: memref<625x144xf32, #tpu.memory_space<hbm>>, %arg6: memref<20000x144xf32, #tpu.memory_space<hbm>>, %arg7: memref<100x50xi32, #tpu.memory_space<vmem>>, %arg8: memref<100x50xi32, #tpu.memory_space<vmem>>, %arg9: memref<50x144xf32, #tpu.memory_space<vmem>>, %arg10: memref<50x144xf32, #tpu.memory_space<vmem>>, %arg11: memref<50x144xf32, #tpu.memory_space<vmem>>, %arg12: memref<50x144xf32, #tpu.memory_space<vmem>>, %arg13: memref<10000x144xf32, #tpu.memory_space<vmem_shared>>, %arg14: memref<!tpu.dma_semaphore, #tpu.memory_space<semaphore_mem>>, %arg15: memref<!tpu.dma_semaphore, #tpu.memory_space<semaphore_mem>>, %arg16: memref<!tpu.dma_semaphore, #tpu.memory_space<semaphore_mem>>, %arg17: memref<!tpu.dma_semaphore, #tpu.memory_space<semaphore_mem>>) attributes {dimension_semantics = [#tpu.dimension_semantics<core_parallel>, #tpu.dimension_semantics<subcore_parallel>], iteration_bounds = array<i64: 2, 16>, scalar_prefetch = 0 : i64, scratch_operands = 11 : i64, tpu.core_type = #tpu.core_type<sc_vector_subcore>, window_params = [{transform_indices = #map}, {transform_indices = #map}, {transform_indices = #map}, {transform_indices = #map}, {transform_indices = #map}]} {
    %mul3A = arith.constant 16 : i32
    %mul3A_0 = arith.muli %arg0, %mul3A : i32
    %add3A = arith.addi %mul3A_0, %arg1 : i32
    %mul3A_1 = arith.constant 625 : i32
    %mul3A_2 = arith.muli %arg1, %mul3A_1 : i32
    "tpu.region"() ({
      %run_scoped3A = tpu.sem_alloc : memref<!tpu.dma_semaphore, #tpu.memory_space<semaphore_mem>>
      %dma_start3A = arith.constant 0 : i32
      %dma_start3A_16 = tpu.memref_slice %arg13[%mul3A_2, %dma_start3A] : memref<10000x144xf32, #tpu.memory_space<vmem_shared>> -> memref<625x144xf32, #tpu.memory_space<vmem_shared>>
      tpu.enqueue_dma source(%arg5 : memref<625x144xf32, #tpu.memory_space<hbm>>) target(%dma_start3A_16 : memref<625x144xf32, #tpu.memory_space<vmem_shared>>) target_semaphore(%run_scoped3A : memref<!tpu.dma_semaphore, #tpu.memory_space<semaphore_mem>>)
      %dma_wait3A = arith.constant 0 : i32
      %dma_wait3A_17 = tpu.memref_slice %arg13[%mul3A_2, %dma_wait3A] : memref<10000x144xf32, #tpu.memory_space<vmem_shared>> -> memref<625x144xf32, #tpu.memory_space<vmem_shared>>
      tpu.wait_dma2 semaphore(%run_scoped3A : memref<!tpu.dma_semaphore, #tpu.memory_space<semaphore_mem>>) src(%arg5 : memref<625x144xf32, #tpu.memory_space<hbm>>) dst(%dma_wait3A_17 : memref<625x144xf32, #tpu.memory_space<vmem_shared>>)
      tpu.yield
    }) : () -> ()
    %barrier3A = arith.constant 0 : index
    tpu.barrier barrier_id(%barrier3A)
    %scan3A = arith.constant 0 : i32
    %scan3A_3 = arith.constant 0 : i32
    %scan3A_4 = arith.constant 2 : i32
    %scan3A_5 = arith.addi %scan3A_3, %scan3A_4 : i32
    %scan3A_6 = arith.constant 1 : i32
    scf.for %scan3A_16 = %scan3A_3 to %scan3A_5 step %scan3A_6  : i32 {
      %mul3A_17 = arith.constant 200 : i32
      %mul3A_18 = arith.muli %add3A, %mul3A_17 : i32
      %mul3A_19 = arith.constant 100 : i32
      %mul3A_20 = arith.muli %scan3A_16, %mul3A_19 : i32
      %add3A_21 = arith.addi %mul3A_18, %mul3A_20 : i32
      "tpu.region"() ({
        %run_scoped3A = tpu.sem_alloc : memref<!tpu.dma_semaphore, #tpu.memory_space<semaphore_mem>>
        %dma_start3A_48 = arith.constant 0 : i32
        %dma_start3A_49 = tpu.memref_slice %arg3[%add3A_21, %dma_start3A_48] : memref<6400x50xi32, #tpu.memory_space<hbm>> -> memref<100x50xi32, #tpu.memory_space<hbm>>
        %dma_start3A_50 = arith.constant 0 : i32
        %dma_start3A_51 = tpu.memref_slice %arg3[%add3A_21, %dma_start3A_50] : memref<6400x50xi32, #tpu.memory_space<hbm>> -> memref<100x50xi32, #tpu.memory_space<hbm>>
        tpu.enqueue_dma source(%dma_start3A_51 : memref<100x50xi32, #tpu.memory_space<hbm>>) target(%arg7 : memref<100x50xi32, #tpu.memory_space<vmem>>) target_semaphore(%run_scoped3A : memref<!tpu.dma_semaphore, #tpu.memory_space<semaphore_mem>>)
        %dma_wait3A = arith.constant 0 : i32
        %dma_wait3A_52 = tpu.memref_slice %arg3[%add3A_21, %dma_wait3A] : memref<6400x50xi32, #tpu.memory_space<hbm>> -> memref<100x50xi32, #tpu.memory_space<hbm>>
        %dma_wait3A_53 = arith.constant 0 : i32
        %dma_wait3A_54 = tpu.memref_slice %arg3[%add3A_21, %dma_wait3A_53] : memref<6400x50xi32, #tpu.memory_space<hbm>> -> memref<100x50xi32, #tpu.memory_space<hbm>>
        tpu.wait_dma2 semaphore(%run_scoped3A : memref<!tpu.dma_semaphore, #tpu.memory_space<semaphore_mem>>) src(%dma_wait3A_54 : memref<100x50xi32, #tpu.memory_space<hbm>>) dst(%arg7 : memref<100x50xi32, #tpu.memory_space<vmem>>)
        tpu.yield
      }) : () -> ()
      "tpu.region"() ({
        %run_scoped3A = tpu.sem_alloc : memref<!tpu.dma_semaphore, #tpu.memory_space<semaphore_mem>>
        %dma_start3A_48 = arith.constant 0 : i32
        %dma_start3A_49 = tpu.memref_slice %arg4[%add3A_21, %dma_start3A_48] : memref<6400x50xi32, #tpu.memory_space<hbm>> -> memref<100x50xi32, #tpu.memory_space<hbm>>
        %dma_start3A_50 = arith.constant 0 : i32
        %dma_start3A_51 = tpu.memref_slice %arg4[%add3A_21, %dma_start3A_50] : memref<6400x50xi32, #tpu.memory_space<hbm>> -> memref<100x50xi32, #tpu.memory_space<hbm>>
        tpu.enqueue_dma source(%dma_start3A_51 : memref<100x50xi32, #tpu.memory_space<hbm>>) target(%arg8 : memref<100x50xi32, #tpu.memory_space<vmem>>) target_semaphore(%run_scoped3A : memref<!tpu.dma_semaphore, #tpu.memory_space<semaphore_mem>>)
        %dma_wait3A = arith.constant 0 : i32
        %dma_wait3A_52 = tpu.memref_slice %arg4[%add3A_21, %dma_wait3A] : memref<6400x50xi32, #tpu.memory_space<hbm>> -> memref<100x50xi32, #tpu.memory_space<hbm>>
        %dma_wait3A_53 = arith.constant 0 : i32
        %dma_wait3A_54 = tpu.memref_slice %arg4[%add3A_21, %dma_wait3A_53] : memref<6400x50xi32, #tpu.memory_space<hbm>> -> memref<100x50xi32, #tpu.memory_space<hbm>>
        tpu.wait_dma2 semaphore(%run_scoped3A : memref<!tpu.dma_semaphore, #tpu.memory_space<semaphore_mem>>) src(%dma_wait3A_54 : memref<100x50xi32, #tpu.memory_space<hbm>>) dst(%arg8 : memref<100x50xi32, #tpu.memory_space<vmem>>)
        tpu.yield
      }) : () -> ()
      %dma_start3A = arith.constant 0 : i32
      %dma_start3A_22 = arith.constant 0 : i32
      %dma_start3A_23 = tpu.memref_slice %arg7[%dma_start3A, %dma_start3A_22] : memref<100x50xi32, #tpu.memory_space<vmem>> -> memref<1x50xi32, #tpu.memory_space<vmem>>
      %dma_start3A_24 = tpu.memref_squeeze %dma_start3A_23 : memref<1x50xi32, #tpu.memory_space<vmem>> -> memref<50xi32, #tpu.memory_space<vmem>>
      %dma_start3A_25 = arith.constant 0 : i32
      %dma_start3A_26 = arith.constant 0 : i32
      %dma_start3A_27 = tpu.memref_slice %arg2[%dma_start3A_25, %dma_start3A_26] : memref<10000x144xf32, #tpu.memory_space<hbm>> -> memref<10000x144xf32, #tpu.memory_space<hbm>>
      tpu.enqueue_indirect_dma source(%dma_start3A_27 : memref<10000x144xf32, #tpu.memory_space<hbm>>) target(%arg9 : memref<50x144xf32, #tpu.memory_space<vmem>>) offsets(%dma_start3A_24 : memref<50xi32, #tpu.memory_space<vmem>>) semaphore(%arg14 : memref<!tpu.dma_semaphore, #tpu.memory_space<semaphore_mem>>)
      %dma_start3A_28 = arith.constant 1 : i32
      %dma_start3A_29 = arith.constant 0 : i32
      %dma_start3A_30 = tpu.memref_slice %arg7[%dma_start3A_28, %dma_start3A_29] : memref<100x50xi32, #tpu.memory_space<vmem>> -> memref<1x50xi32, #tpu.memory_space<vmem>>
      %dma_start3A_31 = tpu.memref_squeeze %dma_start3A_30 : memref<1x50xi32, #tpu.memory_space<vmem>> -> memref<50xi32, #tpu.memory_space<vmem>>
      %dma_start3A_32 = arith.constant 0 : i32
      %dma_start3A_33 = arith.constant 0 : i32
      %dma_start3A_34 = tpu.memref_slice %arg2[%dma_start3A_32, %dma_start3A_33] : memref<10000x144xf32, #tpu.memory_space<hbm>> -> memref<10000x144xf32, #tpu.memory_space<hbm>>
      tpu.enqueue_indirect_dma source(%dma_start3A_34 : memref<10000x144xf32, #tpu.memory_space<hbm>>) target(%arg10 : memref<50x144xf32, #tpu.memory_space<vmem>>) offsets(%dma_start3A_31 : memref<50xi32, #tpu.memory_space<vmem>>) semaphore(%arg15 : memref<!tpu.dma_semaphore, #tpu.memory_space<semaphore_mem>>)
      %dma_start3A_35 = arith.constant 2 : i32
      %dma_start3A_36 = arith.constant 0 : i32
      %dma_start3A_37 = tpu.memref_slice %arg7[%dma_start3A_35, %dma_start3A_36] : memref<100x50xi32, #tpu.memory_space<vmem>> -> memref<1x50xi32, #tpu.memory_space<vmem>>
      %dma_start3A_38 = tpu.memref_squeeze %dma_start3A_37 : memref<1x50xi32, #tpu.memory_space<vmem>> -> memref<50xi32, #tpu.memory_space<vmem>>
      %dma_start3A_39 = arith.constant 0 : i32
      %dma_start3A_40 = arith.constant 0 : i32
      %dma_start3A_41 = tpu.memref_slice %arg2[%dma_start3A_39, %dma_start3A_40] : memref<10000x144xf32, #tpu.memory_space<hbm>> -> memref<10000x144xf32, #tpu.memory_space<hbm>>
      tpu.enqueue_indirect_dma source(%dma_start3A_41 : memref<10000x144xf32, #tpu.memory_space<hbm>>) target(%arg11 : memref<50x144xf32, #tpu.memory_space<vmem>>) offsets(%dma_start3A_38 : memref<50xi32, #tpu.memory_space<vmem>>) semaphore(%arg16 : memref<!tpu.dma_semaphore, #tpu.memory_space<semaphore_mem>>)
      %scan3A_42 = arith.constant 0 : i32
      %scan3A_43 = arith.constant 0 : i32
      %scan3A_44 = arith.constant 25 : i32
      %scan3A_45 = arith.addi %scan3A_43, %scan3A_44 : i32
      %scan3A_46 = arith.constant 1 : i32
      scf.for %scan3A_48 = %scan3A_43 to %scan3A_45 step %scan3A_46  : i32 {
        %mul3A_49 = arith.constant 4 : i32
        %mul3A_50 = arith.muli %scan3A_48, %mul3A_49 : i32
        %add3A_51 = arith.constant 0 : i32
        %add3A_52 = arith.addi %mul3A_50, %add3A_51 : i32
        %dma_wait3A = arith.constant 0 : i32
        %dma_wait3A_53 = tpu.memref_slice %arg7[%add3A_52, %dma_wait3A] : memref<100x50xi32, #tpu.memory_space<vmem>> -> memref<1x50xi32, #tpu.memory_space<vmem>>
        %dma_wait3A_54 = tpu.memref_squeeze %dma_wait3A_53 : memref<1x50xi32, #tpu.memory_space<vmem>> -> memref<50xi32, #tpu.memory_space<vmem>>
        %dma_wait3A_55 = arith.constant 0 : i32
        %dma_wait3A_56 = arith.constant 0 : i32
        %dma_wait3A_57 = tpu.memref_slice %arg2[%dma_wait3A_55, %dma_wait3A_56] : memref<10000x144xf32, #tpu.memory_space<hbm>> -> memref<10000x144xf32, #tpu.memory_space<hbm>>
        tpu.wait_indirect_dma semaphore(%arg14 : memref<!tpu.dma_semaphore, #tpu.memory_space<semaphore_mem>>) src(%dma_wait3A_57 : memref<10000x144xf32, #tpu.memory_space<hbm>>) dst(%arg9 : memref<50x144xf32, #tpu.memory_space<vmem>>)
        %add3A_58 = arith.constant 4 : i32
        %add3A_59 = arith.addi %add3A_52, %add3A_58 : i32
        %sub3A = arith.constant 1 : i32
        %sub3A_60 = arith.subi %add3A_59, %sub3A : i32
        %lt3A = arith.constant 100 : i32
        %lt3A_61 = arith.cmpi slt, %sub3A_60, %lt3A : i32
        %convert_element_type3A = arith.extui %lt3A_61 : i1 to i32
        %cond3A = arith.constant 0 : i32
        %cond3A_62 = arith.cmpi ne, %convert_element_type3A, %cond3A : i32
        scf.if %cond3A_62 {
          %dma_start3A_114 = arith.constant 0 : i32
          %dma_start3A_115 = tpu.memref_slice %arg7[%sub3A_60, %dma_start3A_114] : memref<100x50xi32, #tpu.memory_space<vmem>> -> memref<1x50xi32, #tpu.memory_space<vmem>>
          %dma_start3A_116 = tpu.memref_squeeze %dma_start3A_115 : memref<1x50xi32, #tpu.memory_space<vmem>> -> memref<50xi32, #tpu.memory_space<vmem>>
          %dma_start3A_117 = arith.constant 0 : i32
          %dma_start3A_118 = arith.constant 0 : i32
          %dma_start3A_119 = tpu.memref_slice %arg2[%dma_start3A_117, %dma_start3A_118] : memref<10000x144xf32, #tpu.memory_space<hbm>> -> memref<10000x144xf32, #tpu.memory_space<hbm>>
          tpu.enqueue_indirect_dma source(%dma_start3A_119 : memref<10000x144xf32, #tpu.memory_space<hbm>>) target(%arg12 : memref<50x144xf32, #tpu.memory_space<vmem>>) offsets(%dma_start3A_116 : memref<50xi32, #tpu.memory_space<vmem>>) semaphore(%arg17 : memref<!tpu.dma_semaphore, #tpu.memory_space<semaphore_mem>>)
        } else {
        }
        "tpu.region"() ({
          %run_scoped3A = tpu.sem_alloc : memref<!tpu.dma_semaphore, #tpu.memory_space<semaphore_mem>>
          %dma_start3A_114 = arith.constant 0 : i32
          %dma_start3A_115 = tpu.memref_slice %arg8[%add3A_52, %dma_start3A_114] : memref<100x50xi32, #tpu.memory_space<vmem>> -> memref<1x50xi32, #tpu.memory_space<vmem>>
          %dma_start3A_116 = tpu.memref_squeeze %dma_start3A_115 : memref<1x50xi32, #tpu.memory_space<vmem>> -> memref<50xi32, #tpu.memory_space<vmem>>
          %dma_start3A_117 = arith.constant 0 : i32
          %dma_start3A_118 = arith.constant 0 : i32
          %dma_start3A_119 = tpu.memref_slice %arg13[%dma_start3A_117, %dma_start3A_118] : memref<10000x144xf32, #tpu.memory_space<vmem_shared>> -> memref<10000x144xf32, #tpu.memory_space<vmem_shared>>
          tpu.enqueue_indirect_dma source(%arg9 : memref<50x144xf32, #tpu.memory_space<vmem>>) target(%dma_start3A_119 : memref<10000x144xf32, #tpu.memory_space<vmem_shared>>) offsets(%dma_start3A_116 : memref<50xi32, #tpu.memory_space<vmem>>) semaphore(%run_scoped3A : memref<!tpu.dma_semaphore, #tpu.memory_space<semaphore_mem>>) {add = true}
          %dma_wait3A_120 = arith.constant 0 : i32
          %dma_wait3A_121 = tpu.memref_slice %arg8[%add3A_52, %dma_wait3A_120] : memref<100x50xi32, #tpu.memory_space<vmem>> -> memref<1x50xi32, #tpu.memory_space<vmem>>
          %dma_wait3A_122 = tpu.memref_squeeze %dma_wait3A_121 : memref<1x50xi32, #tpu.memory_space<vmem>> -> memref<50xi32, #tpu.memory_space<vmem>>
          %dma_wait3A_123 = arith.constant 0 : i32
          %dma_wait3A_124 = arith.constant 0 : i32
          %dma_wait3A_125 = tpu.memref_slice %arg13[%dma_wait3A_123, %dma_wait3A_124] : memref<10000x144xf32, #tpu.memory_space<vmem_shared>> -> memref<10000x144xf32, #tpu.memory_space<vmem_shared>>
          tpu.wait_indirect_dma semaphore(%run_scoped3A : memref<!tpu.dma_semaphore, #tpu.memory_space<semaphore_mem>>) src(%arg9 : memref<50x144xf32, #tpu.memory_space<vmem>>) dst(%dma_wait3A_125 : memref<10000x144xf32, #tpu.memory_space<vmem_shared>>)
          tpu.yield
        }) : () -> ()
        %add3A_63 = arith.constant 1 : i32
        %add3A_64 = arith.addi %mul3A_50, %add3A_63 : i32
        %dma_wait3A_65 = arith.constant 0 : i32
        %dma_wait3A_66 = tpu.memref_slice %arg7[%add3A_64, %dma_wait3A_65] : memref<100x50xi32, #tpu.memory_space<vmem>> -> memref<1x50xi32, #tpu.memory_space<vmem>>
        %dma_wait3A_67 = tpu.memref_squeeze %dma_wait3A_66 : memref<1x50xi32, #tpu.memory_space<vmem>> -> memref<50xi32, #tpu.memory_space<vmem>>
        %dma_wait3A_68 = arith.constant 0 : i32
        %dma_wait3A_69 = arith.constant 0 : i32
        %dma_wait3A_70 = tpu.memref_slice %arg2[%dma_wait3A_68, %dma_wait3A_69] : memref<10000x144xf32, #tpu.memory_space<hbm>> -> memref<10000x144xf32, #tpu.memory_space<hbm>>
        tpu.wait_indirect_dma semaphore(%arg15 : memref<!tpu.dma_semaphore, #tpu.memory_space<semaphore_mem>>) src(%dma_wait3A_70 : memref<10000x144xf32, #tpu.memory_space<hbm>>) dst(%arg10 : memref<50x144xf32, #tpu.memory_space<vmem>>)
        %add3A_71 = arith.constant 4 : i32
        %add3A_72 = arith.addi %add3A_64, %add3A_71 : i32
        %sub3A_73 = arith.constant 1 : i32
        %sub3A_74 = arith.subi %add3A_72, %sub3A_73 : i32
        %lt3A_75 = arith.constant 100 : i32
        %lt3A_76 = arith.cmpi slt, %sub3A_74, %lt3A_75 : i32
        %convert_element_type3A_77 = arith.extui %lt3A_76 : i1 to i32
        %cond3A_78 = arith.constant 0 : i32
        %cond3A_79 = arith.cmpi ne, %convert_element_type3A_77, %cond3A_78 : i32
        scf.if %cond3A_79 {
          %dma_start3A_114 = arith.constant 0 : i32
          %dma_start3A_115 = tpu.memref_slice %arg7[%sub3A_74, %dma_start3A_114] : memref<100x50xi32, #tpu.memory_space<vmem>> -> memref<1x50xi32, #tpu.memory_space<vmem>>
          %dma_start3A_116 = tpu.memref_squeeze %dma_start3A_115 : memref<1x50xi32, #tpu.memory_space<vmem>> -> memref<50xi32, #tpu.memory_space<vmem>>
          %dma_start3A_117 = arith.constant 0 : i32
          %dma_start3A_118 = arith.constant 0 : i32
          %dma_start3A_119 = tpu.memref_slice %arg2[%dma_start3A_117, %dma_start3A_118] : memref<10000x144xf32, #tpu.memory_space<hbm>> -> memref<10000x144xf32, #tpu.memory_space<hbm>>
          tpu.enqueue_indirect_dma source(%dma_start3A_119 : memref<10000x144xf32, #tpu.memory_space<hbm>>) target(%arg9 : memref<50x144xf32, #tpu.memory_space<vmem>>) offsets(%dma_start3A_116 : memref<50xi32, #tpu.memory_space<vmem>>) semaphore(%arg14 : memref<!tpu.dma_semaphore, #tpu.memory_space<semaphore_mem>>)
        } else {
        }
        "tpu.region"() ({
          %run_scoped3A = tpu.sem_alloc : memref<!tpu.dma_semaphore, #tpu.memory_space<semaphore_mem>>
          %dma_start3A_114 = arith.constant 0 : i32
          %dma_start3A_115 = tpu.memref_slice %arg8[%add3A_64, %dma_start3A_114] : memref<100x50xi32, #tpu.memory_space<vmem>> -> memref<1x50xi32, #tpu.memory_space<vmem>>
          %dma_start3A_116 = tpu.memref_squeeze %dma_start3A_115 : memref<1x50xi32, #tpu.memory_space<vmem>> -> memref<50xi32, #tpu.memory_space<vmem>>
          %dma_start3A_117 = arith.constant 0 : i32
          %dma_start3A_118 = arith.constant 0 : i32
          %dma_start3A_119 = tpu.memref_slice %arg13[%dma_start3A_117, %dma_start3A_118] : memref<10000x144xf32, #tpu.memory_space<vmem_shared>> -> memref<10000x144xf32, #tpu.memory_space<vmem_shared>>
          tpu.enqueue_indirect_dma source(%arg10 : memref<50x144xf32, #tpu.memory_space<vmem>>) target(%dma_start3A_119 : memref<10000x144xf32, #tpu.memory_space<vmem_shared>>) offsets(%dma_start3A_116 : memref<50xi32, #tpu.memory_space<vmem>>) semaphore(%run_scoped3A : memref<!tpu.dma_semaphore, #tpu.memory_space<semaphore_mem>>) {add = true}
          %dma_wait3A_120 = arith.constant 0 : i32
          %dma_wait3A_121 = tpu.memref_slice %arg8[%add3A_64, %dma_wait3A_120] : memref<100x50xi32, #tpu.memory_space<vmem>> -> memref<1x50xi32, #tpu.memory_space<vmem>>
          %dma_wait3A_122 = tpu.memref_squeeze %dma_wait3A_121 : memref<1x50xi32, #tpu.memory_space<vmem>> -> memref<50xi32, #tpu.memory_space<vmem>>
          %dma_wait3A_123 = arith.constant 0 : i32
          %dma_wait3A_124 = arith.constant 0 : i32
          %dma_wait3A_125 = tpu.memref_slice %arg13[%dma_wait3A_123, %dma_wait3A_124] : memref<10000x144xf32, #tpu.memory_space<vmem_shared>> -> memref<10000x144xf32, #tpu.memory_space<vmem_shared>>
          tpu.wait_indirect_dma semaphore(%run_scoped3A : memref<!tpu.dma_semaphore, #tpu.memory_space<semaphore_mem>>) src(%arg10 : memref<50x144xf32, #tpu.memory_space<vmem>>) dst(%dma_wait3A_125 : memref<10000x144xf32, #tpu.memory_space<vmem_shared>>)
          tpu.yield
        }) : () -> ()
        %add3A_80 = arith.constant 2 : i32
        %add3A_81 = arith.addi %mul3A_50, %add3A_80 : i32
        %dma_wait3A_82 = arith.constant 0 : i32
        %dma_wait3A_83 = tpu.memref_slice %arg7[%add3A_81, %dma_wait3A_82] : memref<100x50xi32, #tpu.memory_space<vmem>> -> memref<1x50xi32, #tpu.memory_space<vmem>>
        %dma_wait3A_84 = tpu.memref_squeeze %dma_wait3A_83 : memref<1x50xi32, #tpu.memory_space<vmem>> -> memref<50xi32, #tpu.memory_space<vmem>>
        %dma_wait3A_85 = arith.constant 0 : i32
        %dma_wait3A_86 = arith.constant 0 : i32
        %dma_wait3A_87 = tpu.memref_slice %arg2[%dma_wait3A_85, %dma_wait3A_86] : memref<10000x144xf32, #tpu.memory_space<hbm>> -> memref<10000x144xf32, #tpu.memory_space<hbm>>
        tpu.wait_indirect_dma semaphore(%arg16 : memref<!tpu.dma_semaphore, #tpu.memory_space<semaphore_mem>>) src(%dma_wait3A_87 : memref<10000x144xf32, #tpu.memory_space<hbm>>) dst(%arg11 : memref<50x144xf32, #tpu.memory_space<vmem>>)
        %add3A_88 = arith.constant 4 : i32
        %add3A_89 = arith.addi %add3A_81, %add3A_88 : i32
        %sub3A_90 = arith.constant 1 : i32
        %sub3A_91 = arith.subi %add3A_89, %sub3A_90 : i32
        %lt3A_92 = arith.constant 100 : i32
        %lt3A_93 = arith.cmpi slt, %sub3A_91, %lt3A_92 : i32
        %convert_element_type3A_94 = arith.extui %lt3A_93 : i1 to i32
        %cond3A_95 = arith.constant 0 : i32
        %cond3A_96 = arith.cmpi ne, %convert_element_type3A_94, %cond3A_95 : i32
        scf.if %cond3A_96 {
          %dma_start3A_114 = arith.constant 0 : i32
          %dma_start3A_115 = tpu.memref_slice %arg7[%sub3A_91, %dma_start3A_114] : memref<100x50xi32, #tpu.memory_space<vmem>> -> memref<1x50xi32, #tpu.memory_space<vmem>>
          %dma_start3A_116 = tpu.memref_squeeze %dma_start3A_115 : memref<1x50xi32, #tpu.memory_space<vmem>> -> memref<50xi32, #tpu.memory_space<vmem>>
          %dma_start3A_117 = arith.constant 0 : i32
          %dma_start3A_118 = arith.constant 0 : i32
          %dma_start3A_119 = tpu.memref_slice %arg2[%dma_start3A_117, %dma_start3A_118] : memref<10000x144xf32, #tpu.memory_space<hbm>> -> memref<10000x144xf32, #tpu.memory_space<hbm>>
          tpu.enqueue_indirect_dma source(%dma_start3A_119 : memref<10000x144xf32, #tpu.memory_space<hbm>>) target(%arg10 : memref<50x144xf32, #tpu.memory_space<vmem>>) offsets(%dma_start3A_116 : memref<50xi32, #tpu.memory_space<vmem>>) semaphore(%arg15 : memref<!tpu.dma_semaphore, #tpu.memory_space<semaphore_mem>>)
        } else {
        }
        "tpu.region"() ({
          %run_scoped3A = tpu.sem_alloc : memref<!tpu.dma_semaphore, #tpu.memory_space<semaphore_mem>>
          %dma_start3A_114 = arith.constant 0 : i32
          %dma_start3A_115 = tpu.memref_slice %arg8[%add3A_81, %dma_start3A_114] : memref<100x50xi32, #tpu.memory_space<vmem>> -> memref<1x50xi32, #tpu.memory_space<vmem>>
          %dma_start3A_116 = tpu.memref_squeeze %dma_start3A_115 : memref<1x50xi32, #tpu.memory_space<vmem>> -> memref<50xi32, #tpu.memory_space<vmem>>
          %dma_start3A_117 = arith.constant 0 : i32
          %dma_start3A_118 = arith.constant 0 : i32
          %dma_start3A_119 = tpu.memref_slice %arg13[%dma_start3A_117, %dma_start3A_118] : memref<10000x144xf32, #tpu.memory_space<vmem_shared>> -> memref<10000x144xf32, #tpu.memory_space<vmem_shared>>
          tpu.enqueue_indirect_dma source(%arg11 : memref<50x144xf32, #tpu.memory_space<vmem>>) target(%dma_start3A_119 : memref<10000x144xf32, #tpu.memory_space<vmem_shared>>) offsets(%dma_start3A_116 : memref<50xi32, #tpu.memory_space<vmem>>) semaphore(%run_scoped3A : memref<!tpu.dma_semaphore, #tpu.memory_space<semaphore_mem>>) {add = true}
          %dma_wait3A_120 = arith.constant 0 : i32
          %dma_wait3A_121 = tpu.memref_slice %arg8[%add3A_81, %dma_wait3A_120] : memref<100x50xi32, #tpu.memory_space<vmem>> -> memref<1x50xi32, #tpu.memory_space<vmem>>
          %dma_wait3A_122 = tpu.memref_squeeze %dma_wait3A_121 : memref<1x50xi32, #tpu.memory_space<vmem>> -> memref<50xi32, #tpu.memory_space<vmem>>
          %dma_wait3A_123 = arith.constant 0 : i32
          %dma_wait3A_124 = arith.constant 0 : i32
          %dma_wait3A_125 = tpu.memref_slice %arg13[%dma_wait3A_123, %dma_wait3A_124] : memref<10000x144xf32, #tpu.memory_space<vmem_shared>> -> memref<10000x144xf32, #tpu.memory_space<vmem_shared>>
          tpu.wait_indirect_dma semaphore(%run_scoped3A : memref<!tpu.dma_semaphore, #tpu.memory_space<semaphore_mem>>) src(%arg11 : memref<50x144xf32, #tpu.memory_space<vmem>>) dst(%dma_wait3A_125 : memref<10000x144xf32, #tpu.memory_space<vmem_shared>>)
          tpu.yield
        }) : () -> ()
        %add3A_97 = arith.constant 3 : i32
        %add3A_98 = arith.addi %mul3A_50, %add3A_97 : i32
        %dma_wait3A_99 = arith.constant 0 : i32
        %dma_wait3A_100 = tpu.memref_slice %arg7[%add3A_98, %dma_wait3A_99] : memref<100x50xi32, #tpu.memory_space<vmem>> -> memref<1x50xi32, #tpu.memory_space<vmem>>
        %dma_wait3A_101 = tpu.memref_squeeze %dma_wait3A_100 : memref<1x50xi32, #tpu.memory_space<vmem>> -> memref<50xi32, #tpu.memory_space<vmem>>
        %dma_wait3A_102 = arith.constant 0 : i32
        %dma_wait3A_103 = arith.constant 0 : i32
        %dma_wait3A_104 = tpu.memref_slice %arg2[%dma_wait3A_102, %dma_wait3A_103] : memref<10000x144xf32, #tpu.memory_space<hbm>> -> memref<10000x144xf32, #tpu.memory_space<hbm>>
        tpu.wait_indirect_dma semaphore(%arg17 : memref<!tpu.dma_semaphore, #tpu.memory_space<semaphore_mem>>) src(%dma_wait3A_104 : memref<10000x144xf32, #tpu.memory_space<hbm>>) dst(%arg12 : memref<50x144xf32, #tpu.memory_space<vmem>>)
        %add3A_105 = arith.constant 4 : i32
        %add3A_106 = arith.addi %add3A_98, %add3A_105 : i32
        %sub3A_107 = arith.constant 1 : i32
        %sub3A_108 = arith.subi %add3A_106, %sub3A_107 : i32
        %lt3A_109 = arith.constant 100 : i32
        %lt3A_110 = arith.cmpi slt, %sub3A_108, %lt3A_109 : i32
        %convert_element_type3A_111 = arith.extui %lt3A_110 : i1 to i32
        %cond3A_112 = arith.constant 0 : i32
        %cond3A_113 = arith.cmpi ne, %convert_element_type3A_111, %cond3A_112 : i32
        scf.if %cond3A_113 {
          %dma_start3A_114 = arith.constant 0 : i32
          %dma_start3A_115 = tpu.memref_slice %arg7[%sub3A_108, %dma_start3A_114] : memref<100x50xi32, #tpu.memory_space<vmem>> -> memref<1x50xi32, #tpu.memory_space<vmem>>
          %dma_start3A_116 = tpu.memref_squeeze %dma_start3A_115 : memref<1x50xi32, #tpu.memory_space<vmem>> -> memref<50xi32, #tpu.memory_space<vmem>>
          %dma_start3A_117 = arith.constant 0 : i32
          %dma_start3A_118 = arith.constant 0 : i32
          %dma_start3A_119 = tpu.memref_slice %arg2[%dma_start3A_117, %dma_start3A_118] : memref<10000x144xf32, #tpu.memory_space<hbm>> -> memref<10000x144xf32, #tpu.memory_space<hbm>>
          tpu.enqueue_indirect_dma source(%dma_start3A_119 : memref<10000x144xf32, #tpu.memory_space<hbm>>) target(%arg11 : memref<50x144xf32, #tpu.memory_space<vmem>>) offsets(%dma_start3A_116 : memref<50xi32, #tpu.memory_space<vmem>>) semaphore(%arg16 : memref<!tpu.dma_semaphore, #tpu.memory_space<semaphore_mem>>)
        } else {
        }
        "tpu.region"() ({
          %run_scoped3A = tpu.sem_alloc : memref<!tpu.dma_semaphore, #tpu.memory_space<semaphore_mem>>
          %dma_start3A_114 = arith.constant 0 : i32
          %dma_start3A_115 = tpu.memref_slice %arg8[%add3A_98, %dma_start3A_114] : memref<100x50xi32, #tpu.memory_space<vmem>> -> memref<1x50xi32, #tpu.memory_space<vmem>>
          %dma_start3A_116 = tpu.memref_squeeze %dma_start3A_115 : memref<1x50xi32, #tpu.memory_space<vmem>> -> memref<50xi32, #tpu.memory_space<vmem>>
          %dma_start3A_117 = arith.constant 0 : i32
          %dma_start3A_118 = arith.constant 0 : i32
          %dma_start3A_119 = tpu.memref_slice %arg13[%dma_start3A_117, %dma_start3A_118] : memref<10000x144xf32, #tpu.memory_space<vmem_shared>> -> memref<10000x144xf32, #tpu.memory_space<vmem_shared>>
          tpu.enqueue_indirect_dma source(%arg12 : memref<50x144xf32, #tpu.memory_space<vmem>>) target(%dma_start3A_119 : memref<10000x144xf32, #tpu.memory_space<vmem_shared>>) offsets(%dma_start3A_116 : memref<50xi32, #tpu.memory_space<vmem>>) semaphore(%run_scoped3A : memref<!tpu.dma_semaphore, #tpu.memory_space<semaphore_mem>>) {add = true}
          %dma_wait3A_120 = arith.constant 0 : i32
          %dma_wait3A_121 = tpu.memref_slice %arg8[%add3A_98, %dma_wait3A_120] : memref<100x50xi32, #tpu.memory_space<vmem>> -> memref<1x50xi32, #tpu.memory_space<vmem>>
          %dma_wait3A_122 = tpu.memref_squeeze %dma_wait3A_121 : memref<1x50xi32, #tpu.memory_space<vmem>> -> memref<50xi32, #tpu.memory_space<vmem>>
          %dma_wait3A_123 = arith.constant 0 : i32
          %dma_wait3A_124 = arith.constant 0 : i32
          %dma_wait3A_125 = tpu.memref_slice %arg13[%dma_wait3A_123, %dma_wait3A_124] : memref<10000x144xf32, #tpu.memory_space<vmem_shared>> -> memref<10000x144xf32, #tpu.memory_space<vmem_shared>>
          tpu.wait_indirect_dma semaphore(%run_scoped3A : memref<!tpu.dma_semaphore, #tpu.memory_space<semaphore_mem>>) src(%arg12 : memref<50x144xf32, #tpu.memory_space<vmem>>) dst(%dma_wait3A_125 : memref<10000x144xf32, #tpu.memory_space<vmem_shared>>)
          tpu.yield
        }) : () -> ()
      }
      %scan3A_47 = arith.constant 25 : i32
    }
    %scan3A_7 = arith.constant 2 : i32
    %barrier3A_8 = arith.constant 0 : index
    tpu.barrier barrier_id(%barrier3A_8)
    %mul3A_9 = arith.constant 625 : i32
    %mul3A_10 = arith.muli %arg1, %mul3A_9 : i32
    %mul3A_11 = arith.constant 10000 : i32
    %mul3A_12 = arith.muli %arg0, %mul3A_11 : i32
    %mul3A_13 = arith.constant 625 : i32
    %mul3A_14 = arith.muli %arg1, %mul3A_13 : i32
    %add3A_15 = arith.addi %mul3A_12, %mul3A_14 : i32
    "tpu.region"() ({
      %run_scoped3A = tpu.sem_alloc : memref<!tpu.dma_semaphore, #tpu.memory_space<semaphore_mem>>
      %dma_start3A = arith.constant 0 : i32
      %dma_start3A_16 = tpu.memref_slice %arg6[%add3A_15, %dma_start3A] : memref<20000x144xf32, #tpu.memory_space<hbm>> -> memref<625x144xf32, #tpu.memory_space<hbm>>
      %dma_start3A_17 = arith.constant 0 : i32
      %dma_start3A_18 = tpu.memref_slice %arg13[%mul3A_10, %dma_start3A_17] : memref<10000x144xf32, #tpu.memory_space<vmem_shared>> -> memref<625x144xf32, #tpu.memory_space<vmem_shared>>
      tpu.enqueue_dma source(%dma_start3A_18 : memref<625x144xf32, #tpu.memory_space<vmem_shared>>) target(%dma_start3A_16 : memref<625x144xf32, #tpu.memory_space<hbm>>) target_semaphore(%run_scoped3A : memref<!tpu.dma_semaphore, #tpu.memory_space<semaphore_mem>>)
      %dma_wait3A = arith.constant 0 : i32
      %dma_wait3A_19 = tpu.memref_slice %arg6[%add3A_15, %dma_wait3A] : memref<20000x144xf32, #tpu.memory_space<hbm>> -> memref<625x144xf32, #tpu.memory_space<hbm>>
      %dma_wait3A_20 = arith.constant 0 : i32
      %dma_wait3A_21 = tpu.memref_slice %arg13[%mul3A_10, %dma_wait3A_20] : memref<10000x144xf32, #tpu.memory_space<vmem_shared>> -> memref<625x144xf32, #tpu.memory_space<vmem_shared>>
      tpu.wait_dma2 semaphore(%run_scoped3A : memref<!tpu.dma_semaphore, #tpu.memory_space<semaphore_mem>>) src(%dma_wait3A_21 : memref<625x144xf32, #tpu.memory_space<vmem_shared>>) dst(%dma_wait3A_19 : memref<625x144xf32, #tpu.memory_space<hbm>>)
      tpu.yield
    }) : () -> ()
    return
  }
}

#map = affine_map<(d0, d1) -> (0, 0)>
module attributes {stable_mosaic.version = 14 : i64} {
  func.func @_sc_agg_body(%arg0: i32, %arg1: i32, %arg2: memref<10000x144xf32, #tpu.memory_space<hbm>>, %arg3: memref<6400x50xi32, #tpu.memory_space<hbm>>, %arg4: memref<6400x50xi32, #tpu.memory_space<hbm>>, %arg5: memref<625x144xf32, #tpu.memory_space<hbm>>, %arg6: memref<20000x144xf32, #tpu.memory_space<hbm>>, %arg7: memref<100x50xi32, #tpu.memory_space<vmem>>, %arg8: memref<100x50xi32, #tpu.memory_space<vmem>>, %arg9: memref<50x144xf32, #tpu.memory_space<vmem>>, %arg10: memref<50x144xf32, #tpu.memory_space<vmem>>, %arg11: memref<50x144xf32, #tpu.memory_space<vmem>>, %arg12: memref<50x144xf32, #tpu.memory_space<vmem>>, %arg13: memref<10000x144xf32, #tpu.memory_space<vmem_shared>>, %arg14: memref<!tpu.dma_semaphore, #tpu.memory_space<semaphore_mem>>, %arg15: memref<!tpu.dma_semaphore, #tpu.memory_space<semaphore_mem>>, %arg16: memref<!tpu.dma_semaphore, #tpu.memory_space<semaphore_mem>>, %arg17: memref<!tpu.dma_semaphore, #tpu.memory_space<semaphore_mem>>) attributes {dimension_semantics = [#tpu.dimension_semantics<core_parallel>, #tpu.dimension_semantics<subcore_parallel>], iteration_bounds = array<i64: 2, 16>, scalar_prefetch = 0 : i64, scratch_operands = 11 : i64, tpu.core_type = #tpu.core_type<sc_vector_subcore>, window_params = [{transform_indices = #map}, {transform_indices = #map}, {transform_indices = #map}, {transform_indices = #map}, {transform_indices = #map}]} {
    %mul3A = arith.constant 16 : i32
    %mul3A_0 = arith.muli %arg0, %mul3A : i32
    %add3A = arith.addi %mul3A_0, %arg1 : i32
    %mul3A_1 = arith.constant 625 : i32
    %mul3A_2 = arith.muli %arg1, %mul3A_1 : i32
    "tpu.region"() ({
      %run_scoped3A = tpu.sem_alloc : memref<!tpu.dma_semaphore, #tpu.memory_space<semaphore_mem>>
      %dma_start3A = arith.constant 0 : i32
      %dma_start3A_16 = tpu.memref_slice %arg13[%mul3A_2, %dma_start3A] : memref<10000x144xf32, #tpu.memory_space<vmem_shared>> -> memref<625x144xf32, #tpu.memory_space<vmem_shared>>
      tpu.enqueue_dma source(%arg5 : memref<625x144xf32, #tpu.memory_space<hbm>>) target(%dma_start3A_16 : memref<625x144xf32, #tpu.memory_space<vmem_shared>>) target_semaphore(%run_scoped3A : memref<!tpu.dma_semaphore, #tpu.memory_space<semaphore_mem>>)
      %dma_wait3A = arith.constant 0 : i32
      %dma_wait3A_17 = tpu.memref_slice %arg13[%mul3A_2, %dma_wait3A] : memref<10000x144xf32, #tpu.memory_space<vmem_shared>> -> memref<625x144xf32, #tpu.memory_space<vmem_shared>>
      tpu.wait_dma2 semaphore(%run_scoped3A : memref<!tpu.dma_semaphore, #tpu.memory_space<semaphore_mem>>) src(%arg5 : memref<625x144xf32, #tpu.memory_space<hbm>>) dst(%dma_wait3A_17 : memref<625x144xf32, #tpu.memory_space<vmem_shared>>)
      tpu.yield
    }) : () -> ()
    %barrier3A = arith.constant 0 : index
    tpu.barrier barrier_id(%barrier3A)
    %scan3A = arith.constant 0 : i32
    %scan3A_3 = arith.constant 0 : i32
    %scan3A_4 = arith.constant 2 : i32
    %scan3A_5 = arith.addi %scan3A_3, %scan3A_4 : i32
    %scan3A_6 = arith.constant 1 : i32
    scf.for %scan3A_16 = %scan3A_3 to %scan3A_5 step %scan3A_6  : i32 {
      %mul3A_17 = arith.constant 200 : i32
      %mul3A_18 = arith.muli %add3A, %mul3A_17 : i32
      %mul3A_19 = arith.constant 100 : i32
      %mul3A_20 = arith.muli %scan3A_16, %mul3A_19 : i32
      %add3A_21 = arith.addi %mul3A_18, %mul3A_20 : i32
      "tpu.region"() ({
        %run_scoped3A = tpu.sem_alloc : memref<!tpu.dma_semaphore, #tpu.memory_space<semaphore_mem>>
        %dma_start3A_48 = arith.constant 0 : i32
        %dma_start3A_49 = tpu.memref_slice %arg3[%add3A_21, %dma_start3A_48] : memref<6400x50xi32, #tpu.memory_space<hbm>> -> memref<100x50xi32, #tpu.memory_space<hbm>>
        %dma_start3A_50 = arith.constant 0 : i32
        %dma_start3A_51 = tpu.memref_slice %arg3[%add3A_21, %dma_start3A_50] : memref<6400x50xi32, #tpu.memory_space<hbm>> -> memref<100x50xi32, #tpu.memory_space<hbm>>
        tpu.enqueue_dma source(%dma_start3A_51 : memref<100x50xi32, #tpu.memory_space<hbm>>) target(%arg7 : memref<100x50xi32, #tpu.memory_space<vmem>>) target_semaphore(%run_scoped3A : memref<!tpu.dma_semaphore, #tpu.memory_space<semaphore_mem>>)
        %dma_wait3A = arith.constant 0 : i32
        %dma_wait3A_52 = tpu.memref_slice %arg3[%add3A_21, %dma_wait3A] : memref<6400x50xi32, #tpu.memory_space<hbm>> -> memref<100x50xi32, #tpu.memory_space<hbm>>
        %dma_wait3A_53 = arith.constant 0 : i32
        %dma_wait3A_54 = tpu.memref_slice %arg3[%add3A_21, %dma_wait3A_53] : memref<6400x50xi32, #tpu.memory_space<hbm>> -> memref<100x50xi32, #tpu.memory_space<hbm>>
        tpu.wait_dma2 semaphore(%run_scoped3A : memref<!tpu.dma_semaphore, #tpu.memory_space<semaphore_mem>>) src(%dma_wait3A_54 : memref<100x50xi32, #tpu.memory_space<hbm>>) dst(%arg7 : memref<100x50xi32, #tpu.memory_space<vmem>>)
        tpu.yield
      }) : () -> ()
      "tpu.region"() ({
        %run_scoped3A = tpu.sem_alloc : memref<!tpu.dma_semaphore, #tpu.memory_space<semaphore_mem>>
        %dma_start3A_48 = arith.constant 0 : i32
        %dma_start3A_49 = tpu.memref_slice %arg4[%add3A_21, %dma_start3A_48] : memref<6400x50xi32, #tpu.memory_space<hbm>> -> memref<100x50xi32, #tpu.memory_space<hbm>>
        %dma_start3A_50 = arith.constant 0 : i32
        %dma_start3A_51 = tpu.memref_slice %arg4[%add3A_21, %dma_start3A_50] : memref<6400x50xi32, #tpu.memory_space<hbm>> -> memref<100x50xi32, #tpu.memory_space<hbm>>
        tpu.enqueue_dma source(%dma_start3A_51 : memref<100x50xi32, #tpu.memory_space<hbm>>) target(%arg8 : memref<100x50xi32, #tpu.memory_space<vmem>>) target_semaphore(%run_scoped3A : memref<!tpu.dma_semaphore, #tpu.memory_space<semaphore_mem>>)
        %dma_wait3A = arith.constant 0 : i32
        %dma_wait3A_52 = tpu.memref_slice %arg4[%add3A_21, %dma_wait3A] : memref<6400x50xi32, #tpu.memory_space<hbm>> -> memref<100x50xi32, #tpu.memory_space<hbm>>
        %dma_wait3A_53 = arith.constant 0 : i32
        %dma_wait3A_54 = tpu.memref_slice %arg4[%add3A_21, %dma_wait3A_53] : memref<6400x50xi32, #tpu.memory_space<hbm>> -> memref<100x50xi32, #tpu.memory_space<hbm>>
        tpu.wait_dma2 semaphore(%run_scoped3A : memref<!tpu.dma_semaphore, #tpu.memory_space<semaphore_mem>>) src(%dma_wait3A_54 : memref<100x50xi32, #tpu.memory_space<hbm>>) dst(%arg8 : memref<100x50xi32, #tpu.memory_space<vmem>>)
        tpu.yield
      }) : () -> ()
      %dma_start3A = arith.constant 0 : i32
      %dma_start3A_22 = arith.constant 0 : i32
      %dma_start3A_23 = tpu.memref_slice %arg7[%dma_start3A, %dma_start3A_22] : memref<100x50xi32, #tpu.memory_space<vmem>> -> memref<1x50xi32, #tpu.memory_space<vmem>>
      %dma_start3A_24 = tpu.memref_squeeze %dma_start3A_23 : memref<1x50xi32, #tpu.memory_space<vmem>> -> memref<50xi32, #tpu.memory_space<vmem>>
      %dma_start3A_25 = arith.constant 0 : i32
      %dma_start3A_26 = arith.constant 0 : i32
      %dma_start3A_27 = tpu.memref_slice %arg2[%dma_start3A_25, %dma_start3A_26] : memref<10000x144xf32, #tpu.memory_space<hbm>> -> memref<10000x144xf32, #tpu.memory_space<hbm>>
      tpu.enqueue_indirect_dma source(%dma_start3A_27 : memref<10000x144xf32, #tpu.memory_space<hbm>>) target(%arg9 : memref<50x144xf32, #tpu.memory_space<vmem>>) offsets(%dma_start3A_24 : memref<50xi32, #tpu.memory_space<vmem>>) semaphore(%arg14 : memref<!tpu.dma_semaphore, #tpu.memory_space<semaphore_mem>>)
      %dma_start3A_28 = arith.constant 1 : i32
      %dma_start3A_29 = arith.constant 0 : i32
      %dma_start3A_30 = tpu.memref_slice %arg7[%dma_start3A_28, %dma_start3A_29] : memref<100x50xi32, #tpu.memory_space<vmem>> -> memref<1x50xi32, #tpu.memory_space<vmem>>
      %dma_start3A_31 = tpu.memref_squeeze %dma_start3A_30 : memref<1x50xi32, #tpu.memory_space<vmem>> -> memref<50xi32, #tpu.memory_space<vmem>>
      %dma_start3A_32 = arith.constant 0 : i32
      %dma_start3A_33 = arith.constant 0 : i32
      %dma_start3A_34 = tpu.memref_slice %arg2[%dma_start3A_32, %dma_start3A_33] : memref<10000x144xf32, #tpu.memory_space<hbm>> -> memref<10000x144xf32, #tpu.memory_space<hbm>>
      tpu.enqueue_indirect_dma source(%dma_start3A_34 : memref<10000x144xf32, #tpu.memory_space<hbm>>) target(%arg10 : memref<50x144xf32, #tpu.memory_space<vmem>>) offsets(%dma_start3A_31 : memref<50xi32, #tpu.memory_space<vmem>>) semaphore(%arg15 : memref<!tpu.dma_semaphore, #tpu.memory_space<semaphore_mem>>)
      %dma_start3A_35 = arith.constant 2 : i32
      %dma_start3A_36 = arith.constant 0 : i32
      %dma_start3A_37 = tpu.memref_slice %arg7[%dma_start3A_35, %dma_start3A_36] : memref<100x50xi32, #tpu.memory_space<vmem>> -> memref<1x50xi32, #tpu.memory_space<vmem>>
      %dma_start3A_38 = tpu.memref_squeeze %dma_start3A_37 : memref<1x50xi32, #tpu.memory_space<vmem>> -> memref<50xi32, #tpu.memory_space<vmem>>
      %dma_start3A_39 = arith.constant 0 : i32
      %dma_start3A_40 = arith.constant 0 : i32
      %dma_start3A_41 = tpu.memref_slice %arg2[%dma_start3A_39, %dma_start3A_40] : memref<10000x144xf32, #tpu.memory_space<hbm>> -> memref<10000x144xf32, #tpu.memory_space<hbm>>
      tpu.enqueue_indirect_dma source(%dma_start3A_41 : memref<10000x144xf32, #tpu.memory_space<hbm>>) target(%arg11 : memref<50x144xf32, #tpu.memory_space<vmem>>) offsets(%dma_start3A_38 : memref<50xi32, #tpu.memory_space<vmem>>) semaphore(%arg16 : memref<!tpu.dma_semaphore, #tpu.memory_space<semaphore_mem>>)
      %scan3A_42 = arith.constant 0 : i32
      %scan3A_43 = arith.constant 0 : i32
      %scan3A_44 = arith.constant 25 : i32
      %scan3A_45 = arith.addi %scan3A_43, %scan3A_44 : i32
      %scan3A_46 = arith.constant 1 : i32
      scf.for %scan3A_48 = %scan3A_43 to %scan3A_45 step %scan3A_46  : i32 {
        %mul3A_49 = arith.constant 4 : i32
        %mul3A_50 = arith.muli %scan3A_48, %mul3A_49 : i32
        %add3A_51 = arith.constant 0 : i32
        %add3A_52 = arith.addi %mul3A_50, %add3A_51 : i32
        %dma_wait3A = arith.constant 0 : i32
        %dma_wait3A_53 = tpu.memref_slice %arg7[%add3A_52, %dma_wait3A] : memref<100x50xi32, #tpu.memory_space<vmem>> -> memref<1x50xi32, #tpu.memory_space<vmem>>
        %dma_wait3A_54 = tpu.memref_squeeze %dma_wait3A_53 : memref<1x50xi32, #tpu.memory_space<vmem>> -> memref<50xi32, #tpu.memory_space<vmem>>
        %dma_wait3A_55 = arith.constant 0 : i32
        %dma_wait3A_56 = arith.constant 0 : i32
        %dma_wait3A_57 = tpu.memref_slice %arg2[%dma_wait3A_55, %dma_wait3A_56] : memref<10000x144xf32, #tpu.memory_space<hbm>> -> memref<10000x144xf32, #tpu.memory_space<hbm>>
        tpu.wait_indirect_dma semaphore(%arg14 : memref<!tpu.dma_semaphore, #tpu.memory_space<semaphore_mem>>) src(%dma_wait3A_57 : memref<10000x144xf32, #tpu.memory_space<hbm>>) dst(%arg9 : memref<50x144xf32, #tpu.memory_space<vmem>>)
        %add3A_58 = arith.constant 4 : i32
        %add3A_59 = arith.addi %add3A_52, %add3A_58 : i32
        %sub3A = arith.constant 1 : i32
        %sub3A_60 = arith.subi %add3A_59, %sub3A : i32
        %lt3A = arith.constant 100 : i32
        %lt3A_61 = arith.cmpi slt, %sub3A_60, %lt3A : i32
        %convert_element_type3A = arith.extui %lt3A_61 : i1 to i32
        %cond3A = arith.constant 0 : i32
        %cond3A_62 = arith.cmpi ne, %convert_element_type3A, %cond3A : i32
        scf.if %cond3A_62 {
          %dma_start3A_114 = arith.constant 0 : i32
          %dma_start3A_115 = tpu.memref_slice %arg7[%sub3A_60, %dma_start3A_114] : memref<100x50xi32, #tpu.memory_space<vmem>> -> memref<1x50xi32, #tpu.memory_space<vmem>>
          %dma_start3A_116 = tpu.memref_squeeze %dma_start3A_115 : memref<1x50xi32, #tpu.memory_space<vmem>> -> memref<50xi32, #tpu.memory_space<vmem>>
          %dma_start3A_117 = arith.constant 0 : i32
          %dma_start3A_118 = arith.constant 0 : i32
          %dma_start3A_119 = tpu.memref_slice %arg2[%dma_start3A_117, %dma_start3A_118] : memref<10000x144xf32, #tpu.memory_space<hbm>> -> memref<10000x144xf32, #tpu.memory_space<hbm>>
          tpu.enqueue_indirect_dma source(%dma_start3A_119 : memref<10000x144xf32, #tpu.memory_space<hbm>>) target(%arg12 : memref<50x144xf32, #tpu.memory_space<vmem>>) offsets(%dma_start3A_116 : memref<50xi32, #tpu.memory_space<vmem>>) semaphore(%arg17 : memref<!tpu.dma_semaphore, #tpu.memory_space<semaphore_mem>>)
        } else {
        }
        "tpu.region"() ({
          %run_scoped3A = tpu.sem_alloc : memref<!tpu.dma_semaphore, #tpu.memory_space<semaphore_mem>>
          %dma_start3A_114 = arith.constant 0 : i32
          %dma_start3A_115 = tpu.memref_slice %arg8[%add3A_52, %dma_start3A_114] : memref<100x50xi32, #tpu.memory_space<vmem>> -> memref<1x50xi32, #tpu.memory_space<vmem>>
          %dma_start3A_116 = tpu.memref_squeeze %dma_start3A_115 : memref<1x50xi32, #tpu.memory_space<vmem>> -> memref<50xi32, #tpu.memory_space<vmem>>
          %dma_start3A_117 = arith.constant 0 : i32
          %dma_start3A_118 = arith.constant 0 : i32
          %dma_start3A_119 = tpu.memref_slice %arg13[%dma_start3A_117, %dma_start3A_118] : memref<10000x144xf32, #tpu.memory_space<vmem_shared>> -> memref<10000x144xf32, #tpu.memory_space<vmem_shared>>
          tpu.enqueue_indirect_dma source(%arg9 : memref<50x144xf32, #tpu.memory_space<vmem>>) target(%dma_start3A_119 : memref<10000x144xf32, #tpu.memory_space<vmem_shared>>) offsets(%dma_start3A_116 : memref<50xi32, #tpu.memory_space<vmem>>) semaphore(%run_scoped3A : memref<!tpu.dma_semaphore, #tpu.memory_space<semaphore_mem>>) {add = true}
          %dma_wait3A_120 = arith.constant 0 : i32
          %dma_wait3A_121 = tpu.memref_slice %arg8[%add3A_52, %dma_wait3A_120] : memref<100x50xi32, #tpu.memory_space<vmem>> -> memref<1x50xi32, #tpu.memory_space<vmem>>
          %dma_wait3A_122 = tpu.memref_squeeze %dma_wait3A_121 : memref<1x50xi32, #tpu.memory_space<vmem>> -> memref<50xi32, #tpu.memory_space<vmem>>
          %dma_wait3A_123 = arith.constant 0 : i32
          %dma_wait3A_124 = arith.constant 0 : i32
          %dma_wait3A_125 = tpu.memref_slice %arg13[%dma_wait3A_123, %dma_wait3A_124] : memref<10000x144xf32, #tpu.memory_space<vmem_shared>> -> memref<10000x144xf32, #tpu.memory_space<vmem_shared>>
          tpu.wait_indirect_dma semaphore(%run_scoped3A : memref<!tpu.dma_semaphore, #tpu.memory_space<semaphore_mem>>) src(%arg9 : memref<50x144xf32, #tpu.memory_space<vmem>>) dst(%dma_wait3A_125 : memref<10000x144xf32, #tpu.memory_space<vmem_shared>>)
          tpu.yield
        }) : () -> ()
        %add3A_63 = arith.constant 1 : i32
        %add3A_64 = arith.addi %mul3A_50, %add3A_63 : i32
        %dma_wait3A_65 = arith.constant 0 : i32
        %dma_wait3A_66 = tpu.memref_slice %arg7[%add3A_64, %dma_wait3A_65] : memref<100x50xi32, #tpu.memory_space<vmem>> -> memref<1x50xi32, #tpu.memory_space<vmem>>
        %dma_wait3A_67 = tpu.memref_squeeze %dma_wait3A_66 : memref<1x50xi32, #tpu.memory_space<vmem>> -> memref<50xi32, #tpu.memory_space<vmem>>
        %dma_wait3A_68 = arith.constant 0 : i32
        %dma_wait3A_69 = arith.constant 0 : i32
        %dma_wait3A_70 = tpu.memref_slice %arg2[%dma_wait3A_68, %dma_wait3A_69] : memref<10000x144xf32, #tpu.memory_space<hbm>> -> memref<10000x144xf32, #tpu.memory_space<hbm>>
        tpu.wait_indirect_dma semaphore(%arg15 : memref<!tpu.dma_semaphore, #tpu.memory_space<semaphore_mem>>) src(%dma_wait3A_70 : memref<10000x144xf32, #tpu.memory_space<hbm>>) dst(%arg10 : memref<50x144xf32, #tpu.memory_space<vmem>>)
        %add3A_71 = arith.constant 4 : i32
        %add3A_72 = arith.addi %add3A_64, %add3A_71 : i32
        %sub3A_73 = arith.constant 1 : i32
        %sub3A_74 = arith.subi %add3A_72, %sub3A_73 : i32
        %lt3A_75 = arith.constant 100 : i32
        %lt3A_76 = arith.cmpi slt, %sub3A_74, %lt3A_75 : i32
        %convert_element_type3A_77 = arith.extui %lt3A_76 : i1 to i32
        %cond3A_78 = arith.constant 0 : i32
        %cond3A_79 = arith.cmpi ne, %convert_element_type3A_77, %cond3A_78 : i32
        scf.if %cond3A_79 {
          %dma_start3A_114 = arith.constant 0 : i32
          %dma_start3A_115 = tpu.memref_slice %arg7[%sub3A_74, %dma_start3A_114] : memref<100x50xi32, #tpu.memory_space<vmem>> -> memref<1x50xi32, #tpu.memory_space<vmem>>
          %dma_start3A_116 = tpu.memref_squeeze %dma_start3A_115 : memref<1x50xi32, #tpu.memory_space<vmem>> -> memref<50xi32, #tpu.memory_space<vmem>>
          %dma_start3A_117 = arith.constant 0 : i32
          %dma_start3A_118 = arith.constant 0 : i32
          %dma_start3A_119 = tpu.memref_slice %arg2[%dma_start3A_117, %dma_start3A_118] : memref<10000x144xf32, #tpu.memory_space<hbm>> -> memref<10000x144xf32, #tpu.memory_space<hbm>>
          tpu.enqueue_indirect_dma source(%dma_start3A_119 : memref<10000x144xf32, #tpu.memory_space<hbm>>) target(%arg9 : memref<50x144xf32, #tpu.memory_space<vmem>>) offsets(%dma_start3A_116 : memref<50xi32, #tpu.memory_space<vmem>>) semaphore(%arg14 : memref<!tpu.dma_semaphore, #tpu.memory_space<semaphore_mem>>)
        } else {
        }
        "tpu.region"() ({
          %run_scoped3A = tpu.sem_alloc : memref<!tpu.dma_semaphore, #tpu.memory_space<semaphore_mem>>
          %dma_start3A_114 = arith.constant 0 : i32
          %dma_start3A_115 = tpu.memref_slice %arg8[%add3A_64, %dma_start3A_114] : memref<100x50xi32, #tpu.memory_space<vmem>> -> memref<1x50xi32, #tpu.memory_space<vmem>>
          %dma_start3A_116 = tpu.memref_squeeze %dma_start3A_115 : memref<1x50xi32, #tpu.memory_space<vmem>> -> memref<50xi32, #tpu.memory_space<vmem>>
          %dma_start3A_117 = arith.constant 0 : i32
          %dma_start3A_118 = arith.constant 0 : i32
          %dma_start3A_119 = tpu.memref_slice %arg13[%dma_start3A_117, %dma_start3A_118] : memref<10000x144xf32, #tpu.memory_space<vmem_shared>> -> memref<10000x144xf32, #tpu.memory_space<vmem_shared>>
          tpu.enqueue_indirect_dma source(%arg10 : memref<50x144xf32, #tpu.memory_space<vmem>>) target(%dma_start3A_119 : memref<10000x144xf32, #tpu.memory_space<vmem_shared>>) offsets(%dma_start3A_116 : memref<50xi32, #tpu.memory_space<vmem>>) semaphore(%run_scoped3A : memref<!tpu.dma_semaphore, #tpu.memory_space<semaphore_mem>>) {add = true}
          %dma_wait3A_120 = arith.constant 0 : i32
          %dma_wait3A_121 = tpu.memref_slice %arg8[%add3A_64, %dma_wait3A_120] : memref<100x50xi32, #tpu.memory_space<vmem>> -> memref<1x50xi32, #tpu.memory_space<vmem>>
          %dma_wait3A_122 = tpu.memref_squeeze %dma_wait3A_121 : memref<1x50xi32, #tpu.memory_space<vmem>> -> memref<50xi32, #tpu.memory_space<vmem>>
          %dma_wait3A_123 = arith.constant 0 : i32
          %dma_wait3A_124 = arith.constant 0 : i32
          %dma_wait3A_125 = tpu.memref_slice %arg13[%dma_wait3A_123, %dma_wait3A_124] : memref<10000x144xf32, #tpu.memory_space<vmem_shared>> -> memref<10000x144xf32, #tpu.memory_space<vmem_shared>>
          tpu.wait_indirect_dma semaphore(%run_scoped3A : memref<!tpu.dma_semaphore, #tpu.memory_space<semaphore_mem>>) src(%arg10 : memref<50x144xf32, #tpu.memory_space<vmem>>) dst(%dma_wait3A_125 : memref<10000x144xf32, #tpu.memory_space<vmem_shared>>)
          tpu.yield
        }) : () -> ()
        %add3A_80 = arith.constant 2 : i32
        %add3A_81 = arith.addi %mul3A_50, %add3A_80 : i32
        %dma_wait3A_82 = arith.constant 0 : i32
        %dma_wait3A_83 = tpu.memref_slice %arg7[%add3A_81, %dma_wait3A_82] : memref<100x50xi32, #tpu.memory_space<vmem>> -> memref<1x50xi32, #tpu.memory_space<vmem>>
        %dma_wait3A_84 = tpu.memref_squeeze %dma_wait3A_83 : memref<1x50xi32, #tpu.memory_space<vmem>> -> memref<50xi32, #tpu.memory_space<vmem>>
        %dma_wait3A_85 = arith.constant 0 : i32
        %dma_wait3A_86 = arith.constant 0 : i32
        %dma_wait3A_87 = tpu.memref_slice %arg2[%dma_wait3A_85, %dma_wait3A_86] : memref<10000x144xf32, #tpu.memory_space<hbm>> -> memref<10000x144xf32, #tpu.memory_space<hbm>>
        tpu.wait_indirect_dma semaphore(%arg16 : memref<!tpu.dma_semaphore, #tpu.memory_space<semaphore_mem>>) src(%dma_wait3A_87 : memref<10000x144xf32, #tpu.memory_space<hbm>>) dst(%arg11 : memref<50x144xf32, #tpu.memory_space<vmem>>)
        %add3A_88 = arith.constant 4 : i32
        %add3A_89 = arith.addi %add3A_81, %add3A_88 : i32
        %sub3A_90 = arith.constant 1 : i32
        %sub3A_91 = arith.subi %add3A_89, %sub3A_90 : i32
        %lt3A_92 = arith.constant 100 : i32
        %lt3A_93 = arith.cmpi slt, %sub3A_91, %lt3A_92 : i32
        %convert_element_type3A_94 = arith.extui %lt3A_93 : i1 to i32
        %cond3A_95 = arith.constant 0 : i32
        %cond3A_96 = arith.cmpi ne, %convert_element_type3A_94, %cond3A_95 : i32
        scf.if %cond3A_96 {
          %dma_start3A_114 = arith.constant 0 : i32
          %dma_start3A_115 = tpu.memref_slice %arg7[%sub3A_91, %dma_start3A_114] : memref<100x50xi32, #tpu.memory_space<vmem>> -> memref<1x50xi32, #tpu.memory_space<vmem>>
          %dma_start3A_116 = tpu.memref_squeeze %dma_start3A_115 : memref<1x50xi32, #tpu.memory_space<vmem>> -> memref<50xi32, #tpu.memory_space<vmem>>
          %dma_start3A_117 = arith.constant 0 : i32
          %dma_start3A_118 = arith.constant 0 : i32
          %dma_start3A_119 = tpu.memref_slice %arg2[%dma_start3A_117, %dma_start3A_118] : memref<10000x144xf32, #tpu.memory_space<hbm>> -> memref<10000x144xf32, #tpu.memory_space<hbm>>
          tpu.enqueue_indirect_dma source(%dma_start3A_119 : memref<10000x144xf32, #tpu.memory_space<hbm>>) target(%arg10 : memref<50x144xf32, #tpu.memory_space<vmem>>) offsets(%dma_start3A_116 : memref<50xi32, #tpu.memory_space<vmem>>) semaphore(%arg15 : memref<!tpu.dma_semaphore, #tpu.memory_space<semaphore_mem>>)
        } else {
        }
        "tpu.region"() ({
          %run_scoped3A = tpu.sem_alloc : memref<!tpu.dma_semaphore, #tpu.memory_space<semaphore_mem>>
          %dma_start3A_114 = arith.constant 0 : i32
          %dma_start3A_115 = tpu.memref_slice %arg8[%add3A_81, %dma_start3A_114] : memref<100x50xi32, #tpu.memory_space<vmem>> -> memref<1x50xi32, #tpu.memory_space<vmem>>
          %dma_start3A_116 = tpu.memref_squeeze %dma_start3A_115 : memref<1x50xi32, #tpu.memory_space<vmem>> -> memref<50xi32, #tpu.memory_space<vmem>>
          %dma_start3A_117 = arith.constant 0 : i32
          %dma_start3A_118 = arith.constant 0 : i32
          %dma_start3A_119 = tpu.memref_slice %arg13[%dma_start3A_117, %dma_start3A_118] : memref<10000x144xf32, #tpu.memory_space<vmem_shared>> -> memref<10000x144xf32, #tpu.memory_space<vmem_shared>>
          tpu.enqueue_indirect_dma source(%arg11 : memref<50x144xf32, #tpu.memory_space<vmem>>) target(%dma_start3A_119 : memref<10000x144xf32, #tpu.memory_space<vmem_shared>>) offsets(%dma_start3A_116 : memref<50xi32, #tpu.memory_space<vmem>>) semaphore(%run_scoped3A : memref<!tpu.dma_semaphore, #tpu.memory_space<semaphore_mem>>) {add = true}
          %dma_wait3A_120 = arith.constant 0 : i32
          %dma_wait3A_121 = tpu.memref_slice %arg8[%add3A_81, %dma_wait3A_120] : memref<100x50xi32, #tpu.memory_space<vmem>> -> memref<1x50xi32, #tpu.memory_space<vmem>>
          %dma_wait3A_122 = tpu.memref_squeeze %dma_wait3A_121 : memref<1x50xi32, #tpu.memory_space<vmem>> -> memref<50xi32, #tpu.memory_space<vmem>>
          %dma_wait3A_123 = arith.constant 0 : i32
          %dma_wait3A_124 = arith.constant 0 : i32
          %dma_wait3A_125 = tpu.memref_slice %arg13[%dma_wait3A_123, %dma_wait3A_124] : memref<10000x144xf32, #tpu.memory_space<vmem_shared>> -> memref<10000x144xf32, #tpu.memory_space<vmem_shared>>
          tpu.wait_indirect_dma semaphore(%run_scoped3A : memref<!tpu.dma_semaphore, #tpu.memory_space<semaphore_mem>>) src(%arg11 : memref<50x144xf32, #tpu.memory_space<vmem>>) dst(%dma_wait3A_125 : memref<10000x144xf32, #tpu.memory_space<vmem_shared>>)
          tpu.yield
        }) : () -> ()
        %add3A_97 = arith.constant 3 : i32
        %add3A_98 = arith.addi %mul3A_50, %add3A_97 : i32
        %dma_wait3A_99 = arith.constant 0 : i32
        %dma_wait3A_100 = tpu.memref_slice %arg7[%add3A_98, %dma_wait3A_99] : memref<100x50xi32, #tpu.memory_space<vmem>> -> memref<1x50xi32, #tpu.memory_space<vmem>>
        %dma_wait3A_101 = tpu.memref_squeeze %dma_wait3A_100 : memref<1x50xi32, #tpu.memory_space<vmem>> -> memref<50xi32, #tpu.memory_space<vmem>>
        %dma_wait3A_102 = arith.constant 0 : i32
        %dma_wait3A_103 = arith.constant 0 : i32
        %dma_wait3A_104 = tpu.memref_slice %arg2[%dma_wait3A_102, %dma_wait3A_103] : memref<10000x144xf32, #tpu.memory_space<hbm>> -> memref<10000x144xf32, #tpu.memory_space<hbm>>
        tpu.wait_indirect_dma semaphore(%arg17 : memref<!tpu.dma_semaphore, #tpu.memory_space<semaphore_mem>>) src(%dma_wait3A_104 : memref<10000x144xf32, #tpu.memory_space<hbm>>) dst(%arg12 : memref<50x144xf32, #tpu.memory_space<vmem>>)
        %add3A_105 = arith.constant 4 : i32
        %add3A_106 = arith.addi %add3A_98, %add3A_105 : i32
        %sub3A_107 = arith.constant 1 : i32
        %sub3A_108 = arith.subi %add3A_106, %sub3A_107 : i32
        %lt3A_109 = arith.constant 100 : i32
        %lt3A_110 = arith.cmpi slt, %sub3A_108, %lt3A_109 : i32
        %convert_element_type3A_111 = arith.extui %lt3A_110 : i1 to i32
        %cond3A_112 = arith.constant 0 : i32
        %cond3A_113 = arith.cmpi ne, %convert_element_type3A_111, %cond3A_112 : i32
        scf.if %cond3A_113 {
          %dma_start3A_114 = arith.constant 0 : i32
          %dma_start3A_115 = tpu.memref_slice %arg7[%sub3A_108, %dma_start3A_114] : memref<100x50xi32, #tpu.memory_space<vmem>> -> memref<1x50xi32, #tpu.memory_space<vmem>>
          %dma_start3A_116 = tpu.memref_squeeze %dma_start3A_115 : memref<1x50xi32, #tpu.memory_space<vmem>> -> memref<50xi32, #tpu.memory_space<vmem>>
          %dma_start3A_117 = arith.constant 0 : i32
          %dma_start3A_118 = arith.constant 0 : i32
          %dma_start3A_119 = tpu.memref_slice %arg2[%dma_start3A_117, %dma_start3A_118] : memref<10000x144xf32, #tpu.memory_space<hbm>> -> memref<10000x144xf32, #tpu.memory_space<hbm>>
          tpu.enqueue_indirect_dma source(%dma_start3A_119 : memref<10000x144xf32, #tpu.memory_space<hbm>>) target(%arg11 : memref<50x144xf32, #tpu.memory_space<vmem>>) offsets(%dma_start3A_116 : memref<50xi32, #tpu.memory_space<vmem>>) semaphore(%arg16 : memref<!tpu.dma_semaphore, #tpu.memory_space<semaphore_mem>>)
        } else {
        }
        "tpu.region"() ({
          %run_scoped3A = tpu.sem_alloc : memref<!tpu.dma_semaphore, #tpu.memory_space<semaphore_mem>>
          %dma_start3A_114 = arith.constant 0 : i32
          %dma_start3A_115 = tpu.memref_slice %arg8[%add3A_98, %dma_start3A_114] : memref<100x50xi32, #tpu.memory_space<vmem>> -> memref<1x50xi32, #tpu.memory_space<vmem>>
          %dma_start3A_116 = tpu.memref_squeeze %dma_start3A_115 : memref<1x50xi32, #tpu.memory_space<vmem>> -> memref<50xi32, #tpu.memory_space<vmem>>
          %dma_start3A_117 = arith.constant 0 : i32
          %dma_start3A_118 = arith.constant 0 : i32
          %dma_start3A_119 = tpu.memref_slice %arg13[%dma_start3A_117, %dma_start3A_118] : memref<10000x144xf32, #tpu.memory_space<vmem_shared>> -> memref<10000x144xf32, #tpu.memory_space<vmem_shared>>
          tpu.enqueue_indirect_dma source(%arg12 : memref<50x144xf32, #tpu.memory_space<vmem>>) target(%dma_start3A_119 : memref<10000x144xf32, #tpu.memory_space<vmem_shared>>) offsets(%dma_start3A_116 : memref<50xi32, #tpu.memory_space<vmem>>) semaphore(%run_scoped3A : memref<!tpu.dma_semaphore, #tpu.memory_space<semaphore_mem>>) {add = true}
          %dma_wait3A_120 = arith.constant 0 : i32
          %dma_wait3A_121 = tpu.memref_slice %arg8[%add3A_98, %dma_wait3A_120] : memref<100x50xi32, #tpu.memory_space<vmem>> -> memref<1x50xi32, #tpu.memory_space<vmem>>
          %dma_wait3A_122 = tpu.memref_squeeze %dma_wait3A_121 : memref<1x50xi32, #tpu.memory_space<vmem>> -> memref<50xi32, #tpu.memory_space<vmem>>
          %dma_wait3A_123 = arith.constant 0 : i32
          %dma_wait3A_124 = arith.constant 0 : i32
          %dma_wait3A_125 = tpu.memref_slice %arg13[%dma_wait3A_123, %dma_wait3A_124] : memref<10000x144xf32, #tpu.memory_space<vmem_shared>> -> memref<10000x144xf32, #tpu.memory_space<vmem_shared>>
          tpu.wait_indirect_dma semaphore(%run_scoped3A : memref<!tpu.dma_semaphore, #tpu.memory_space<semaphore_mem>>) src(%arg12 : memref<50x144xf32, #tpu.memory_space<vmem>>) dst(%dma_wait3A_125 : memref<10000x144xf32, #tpu.memory_space<vmem_shared>>)
          tpu.yield
        }) : () -> ()
      }
      %scan3A_47 = arith.constant 25 : i32
    }
    %scan3A_7 = arith.constant 2 : i32
    %barrier3A_8 = arith.constant 0 : index
    tpu.barrier barrier_id(%barrier3A_8)
    %mul3A_9 = arith.constant 625 : i32
    %mul3A_10 = arith.muli %arg1, %mul3A_9 : i32
    %mul3A_11 = arith.constant 10000 : i32
    %mul3A_12 = arith.muli %arg0, %mul3A_11 : i32
    %mul3A_13 = arith.constant 625 : i32
    %mul3A_14 = arith.muli %arg1, %mul3A_13 : i32
    %add3A_15 = arith.addi %mul3A_12, %mul3A_14 : i32
    "tpu.region"() ({
      %run_scoped3A = tpu.sem_alloc : memref<!tpu.dma_semaphore, #tpu.memory_space<semaphore_mem>>
      %dma_start3A = arith.constant 0 : i32
      %dma_start3A_16 = tpu.memref_slice %arg6[%add3A_15, %dma_start3A] : memref<20000x144xf32, #tpu.memory_space<hbm>> -> memref<625x144xf32, #tpu.memory_space<hbm>>
      %dma_start3A_17 = arith.constant 0 : i32
      %dma_start3A_18 = tpu.memref_slice %arg13[%mul3A_10, %dma_start3A_17] : memref<10000x144xf32, #tpu.memory_space<vmem_shared>> -> memref<625x144xf32, #tpu.memory_space<vmem_shared>>
      tpu.enqueue_dma source(%dma_start3A_18 : memref<625x144xf32, #tpu.memory_space<vmem_shared>>) target(%dma_start3A_16 : memref<625x144xf32, #tpu.memory_space<hbm>>) target_semaphore(%run_scoped3A : memref<!tpu.dma_semaphore, #tpu.memory_space<semaphore_mem>>)
      %dma_wait3A = arith.constant 0 : i32
      %dma_wait3A_19 = tpu.memref_slice %arg6[%add3A_15, %dma_wait3A] : memref<20000x144xf32, #tpu.memory_space<hbm>> -> memref<625x144xf32, #tpu.memory_space<hbm>>
      %dma_wait3A_20 = arith.constant 0 : i32
      %dma_wait3A_21 = tpu.memref_slice %arg13[%mul3A_10, %dma_wait3A_20] : memref<10000x144xf32, #tpu.memory_space<vmem_shared>> -> memref<625x144xf32, #tpu.memory_space<vmem_shared>>
      tpu.wait_dma2 semaphore(%run_scoped3A : memref<!tpu.dma_semaphore, #tpu.memory_space<semaphore_mem>>) src(%dma_wait3A_21 : memref<625x144xf32, #tpu.memory_space<vmem_shared>>) dst(%dma_wait3A_19 : memref<625x144xf32, #tpu.memory_space<hbm>>)
      tpu.yield
    }) : () -> ()
    return
  }
}

module attributes {stable_mosaic.version = 14 : i64} {
  func.func @_h0_body(%arg0: i32, %arg1: memref<2000x128xf32, #tpu.memory_space<vmem>>, %arg2: memref<400x16xf32, #tpu.memory_space<vmem>>, %arg3: memref<2000x144xf32, #tpu.memory_space<vmem>>) attributes {dimension_semantics = [#tpu.dimension_semantics<arbitrary>], iteration_bounds = array<i64: 5>, scalar_prefetch = 0 : i64, scratch_operands = 0 : i64, tpu.core_type = #tpu.core_type<tc>, window_params = [{transform_indices = @transform_0, window_bounds = array<i64: 2000, 128>}, {pipeline_mode = #tpu.pipeline_mode<synchronous>, transform_indices = @transform_1, window_bounds = array<i64: 400, 16>}, {transform_indices = @transform_2, window_bounds = array<i64: 2000, 144>}]} {
    %get3A = arith.constant 0 : index
    %get3A_0 = arith.constant 0 : index
    %get3A_1 = vector.load %arg1[%get3A, %get3A_0] : memref<2000x128xf32, #tpu.memory_space<vmem>>, vector<2000x128xf32>
    %slice3A = vector.extract_strided_slice %get3A_1 {offsets = [0, 0], sizes = [2000, 1], strides = [1, 1]} : vector<2000x128xf32> to vector<2000x1xf32>
    %convert_element_type3A = arith.fptosi %slice3A : vector<2000x1xf32> to vector<2000x1xi32>
    %iota3A = tpu.iota {dimensions = array<i32: 1>} : vector<1x400xi32>
    %eq3A = vector.broadcast %convert_element_type3A : vector<2000x1xi32> to vector<2000x400xi32>
    %eq3A_2 = vector.broadcast %iota3A : vector<1x400xi32> to vector<2000x400xi32>
    %eq3A_3 = arith.cmpi eq, %eq3A, %eq3A_2 : vector<2000x400xi32>
    %convert_element_type3A_4 = arith.extui %eq3A_3 : vector<2000x400xi1> to vector<2000x400xi32>
    %convert_element_type3A_5 = arith.sitofp %convert_element_type3A_4 : vector<2000x400xi32> to vector<2000x400xf32>
    %iota3A_6 = tpu.iota {dimensions = array<i32: 0>} : vector<128x144xi32>
    %iota3A_7 = tpu.iota {dimensions = array<i32: 1>} : vector<128x144xi32>
    %add3A = arith.constant 1 : i32
    %add3A_8 = vector.broadcast %add3A : i32 to vector<128x144xi32>
    %add3A_9 = arith.addi %iota3A_7, %add3A_8 : vector<128x144xi32>
    %eq3A_10 = arith.cmpi eq, %iota3A_6, %add3A_9 : vector<128x144xi32>
    %convert_element_type3A_11 = arith.extui %eq3A_10 : vector<128x144xi1> to vector<128x144xi32>
    %convert_element_type3A_12 = arith.sitofp %convert_element_type3A_11 : vector<128x144xi32> to vector<128x144xf32>
    %iota3A_13 = tpu.iota {dimensions = array<i32: 0>} : vector<16x144xi32>
    %iota3A_14 = tpu.iota {dimensions = array<i32: 1>} : vector<16x144xi32>
    %add3A_15 = arith.constant 127 : i32
    %add3A_16 = vector.broadcast %add3A_15 : i32 to vector<16x144xi32>
    %add3A_17 = arith.addi %iota3A_13, %add3A_16 : vector<16x144xi32>
    %eq3A_18 = arith.cmpi eq, %iota3A_14, %add3A_17 : vector<16x144xi32>
    %convert_element_type3A_19 = arith.extui %eq3A_18 : vector<16x144xi1> to vector<16x144xi32>
    %convert_element_type3A_20 = arith.sitofp %convert_element_type3A_19 : vector<16x144xi32> to vector<16x144xf32>
    %get3A_21 = arith.constant 0 : index
    %get3A_22 = arith.constant 0 : index
    %get3A_23 = vector.load %arg2[%get3A_21, %get3A_22] : memref<400x16xf32, #tpu.memory_space<vmem>>, vector<400x16xf32>
    %dot_general3A = arith.constant dense<0.000000e+00> : vector<2000x16xf32>
    %dot_general3A_24 = tpu.matmul %convert_element_type3A_5, %get3A_23, %dot_general3A {dimension_numbers = #tpu.dot_dimension_numbers<[1], [0], [0], [1], [0, 0, 1, 1], [], []>, transpose_lhs_hint = false} : vector<2000x400xf32>, vector<400x16xf32>, vector<2000x16xf32> -> vector<2000x16xf32>
    %dot_general3A_25 = arith.constant dense<0.000000e+00> : vector<2000x144xf32>
    %dot_general3A_26 = tpu.matmul %get3A_1, %convert_element_type3A_12, %dot_general3A_25 {dimension_numbers = #tpu.dot_dimension_numbers<[1], [0], [0], [1], [0, 0, 1, 1], [], []>, transpose_lhs_hint = false} : vector<2000x128xf32>, vector<128x144xf32>, vector<2000x144xf32> -> vector<2000x144xf32>
    %dot_general3A_27 = arith.constant dense<0.000000e+00> : vector<2000x144xf32>
    %dot_general3A_28 = tpu.matmul %dot_general3A_24, %convert_element_type3A_20, %dot_general3A_27 {dimension_numbers = #tpu.dot_dimension_numbers<[1], [0], [0], [1], [0, 0, 1, 1], [], []>, transpose_lhs_hint = false} : vector<2000x16xf32>, vector<16x144xf32>, vector<2000x144xf32> -> vector<2000x144xf32>
    %add3A_29 = arith.addf %dot_general3A_26, %dot_general3A_28 : vector<2000x144xf32>
    %swap3A = arith.constant 0 : index
    %swap3A_30 = arith.constant 0 : index
    %swap3A_31 = vector.load %arg3[%swap3A, %swap3A_30] : memref<2000x144xf32, #tpu.memory_space<vmem>>, vector<2000x144xf32>
    tpu.vector_store %arg3[%swap3A, %swap3A_30], %add3A_29 {strides = array<i32>} : memref<2000x144xf32, #tpu.memory_space<vmem>>, vector<2000x144xf32>,
    return
  }
  func.func @transform_0(%arg0: i32) -> (i32, i32) {
    %c0_i32 = arith.constant 0 : i32
    %c0_i32_0 = arith.constant 0 : i32
    return %arg0, %c0_i32 : i32, i32
  }
  func.func @transform_1(%arg0: i32) -> (i32, i32) {
    %c0_i32 = arith.constant 0 : i32
    %c0_i32_0 = arith.constant 0 : i32
    %c0_i32_1 = arith.constant 0 : i32
    return %c0_i32, %c0_i32_0 : i32, i32
  }
  func.func @transform_2(%arg0: i32) -> (i32, i32) {
    %c0_i32 = arith.constant 0 : i32
    %c0_i32_0 = arith.constant 0 : i32
    return %arg0, %c0_i32 : i32, i32
  }
}

module attributes {stable_mosaic.version = 14 : i64} {
  func.func @_mlp_body(%arg0: i32, %arg1: memref<2000x144xf32, #tpu.memory_space<vmem>>, %arg2: memref<2x2000x144xf32, #tpu.memory_space<vmem>>, %arg3: memref<2x144x144xf32, #tpu.memory_space<vmem>>, %arg4: memref<1x4x144xf32, #tpu.memory_space<vmem>>, %arg5: memref<2000x144xf32, #tpu.memory_space<vmem>>) attributes {dimension_semantics = [#tpu.dimension_semantics<arbitrary>], iteration_bounds = array<i64: 5>, scalar_prefetch = 0 : i64, scratch_operands = 0 : i64, tpu.core_type = #tpu.core_type<tc>, window_params = [{transform_indices = @transform_0, window_bounds = array<i64: 2000, 144>}, {transform_indices = @transform_1, window_bounds = array<i64: 2, 2000, 144>}, {transform_indices = @transform_2, window_bounds = array<i64: 2, 144, 144>}, {transform_indices = @transform_3, window_bounds = array<i64: 1, 4, 144>}, {transform_indices = @transform_4, window_bounds = array<i64: 2000, 144>}]} {
    %get3A = arith.constant 0 : index
    %get3A_0 = arith.constant 0 : index
    %get3A_1 = vector.load %arg1[%get3A, %get3A_0] : memref<2000x144xf32, #tpu.memory_space<vmem>>, vector<2000x144xf32>
    %get3A_2 = arith.constant 0 : index
    %get3A_3 = arith.constant 0 : index
    %get3A_4 = arith.constant 0 : index
    %get3A_5 = vector.load %arg4[%get3A_2, %get3A_3, %get3A_4] : memref<1x4x144xf32, #tpu.memory_space<vmem>>, vector<1x4x144xf32>
    %get3A_6 = vector.shape_cast %get3A_5 : vector<1x4x144xf32> to vector<4x144xf32>
    %get3A_7 = arith.constant 0 : index
    %get3A_8 = arith.constant 0 : index
    %get3A_9 = arith.constant 0 : index
    %get3A_10 = vector.load %arg2[%get3A_7, %get3A_8, %get3A_9] : memref<2x2000x144xf32, #tpu.memory_space<vmem>>, vector<1x2000x144xf32>
    %get3A_11 = vector.shape_cast %get3A_10 : vector<1x2000x144xf32> to vector<2000x144xf32>
    %add3A = arith.addf %get3A_1, %get3A_11 : vector<2000x144xf32>
    %get3A_12 = arith.constant 1 : index
    %get3A_13 = arith.constant 0 : index
    %get3A_14 = arith.constant 0 : index
    %get3A_15 = vector.load %arg2[%get3A_12, %get3A_13, %get3A_14] : memref<2x2000x144xf32, #tpu.memory_space<vmem>>, vector<1x2000x144xf32>
    %get3A_16 = vector.shape_cast %get3A_15 : vector<1x2000x144xf32> to vector<2000x144xf32>
    %add3A_17 = arith.addf %add3A, %get3A_16 : vector<2000x144xf32>
    %get3A_18 = arith.constant 0 : index
    %get3A_19 = arith.constant 0 : index
    %get3A_20 = arith.constant 0 : index
    %get3A_21 = vector.load %arg3[%get3A_18, %get3A_19, %get3A_20] : memref<2x144x144xf32, #tpu.memory_space<vmem>>, vector<1x144x144xf32>
    %get3A_22 = vector.shape_cast %get3A_21 : vector<1x144x144xf32> to vector<144x144xf32>
    %dot_general3A = arith.constant dense<0.000000e+00> : vector<2000x144xf32>
    %dot_general3A_23 = tpu.matmul %add3A_17, %get3A_22, %dot_general3A {dimension_numbers = #tpu.dot_dimension_numbers<[1], [0], [0], [1], [0, 0, 1, 1], [], []>, transpose_lhs_hint = false} : vector<2000x144xf32>, vector<144x144xf32>, vector<2000x144xf32> -> vector<2000x144xf32>
    %slice3A = vector.extract_strided_slice %get3A_6 {offsets = [0, 0], sizes = [1, 144], strides = [1, 1]} : vector<4x144xf32> to vector<1x144xf32>
    %add3A_24 = vector.broadcast %slice3A : vector<1x144xf32> to vector<2000x144xf32>
    %add3A_25 = arith.addf %dot_general3A_23, %add3A_24 : vector<2000x144xf32>
    %max3A = arith.constant 0.000000e+00 : f32
    %max3A_26 = vector.broadcast %max3A : f32 to vector<2000x144xf32>
    %max3A_27 = arith.maximumf %add3A_25, %max3A_26 : vector<2000x144xf32>
    %get3A_28 = arith.constant 1 : index
    %get3A_29 = arith.constant 0 : index
    %get3A_30 = arith.constant 0 : index
    %get3A_31 = vector.load %arg3[%get3A_28, %get3A_29, %get3A_30] : memref<2x144x144xf32, #tpu.memory_space<vmem>>, vector<1x144x144xf32>
    %get3A_32 = vector.shape_cast %get3A_31 : vector<1x144x144xf32> to vector<144x144xf32>
    %dot_general3A_33 = arith.constant dense<0.000000e+00> : vector<2000x144xf32>
    %dot_general3A_34 = tpu.matmul %max3A_27, %get3A_32, %dot_general3A_33 {dimension_numbers = #tpu.dot_dimension_numbers<[1], [0], [0], [1], [0, 0, 1, 1], [], []>, transpose_lhs_hint = false} : vector<2000x144xf32>, vector<144x144xf32>, vector<2000x144xf32> -> vector<2000x144xf32>
    %slice3A_35 = vector.extract_strided_slice %get3A_6 {offsets = [1, 0], sizes = [1, 144], strides = [1, 1]} : vector<4x144xf32> to vector<1x144xf32>
    %add3A_36 = vector.broadcast %slice3A_35 : vector<1x144xf32> to vector<2000x144xf32>
    %add3A_37 = arith.addf %dot_general3A_34, %add3A_36 : vector<2000x144xf32>
    %reduce_sum3A = arith.constant dense<0.000000e+00> : vector<2000xf32>
    %reduce_sum3A_38 = vector.multi_reduction <add>, %add3A_37, %reduce_sum3A [1] : vector<2000x144xf32> to vector<2000xf32>
    %broadcast_in_dim3A = vector.shape_cast %reduce_sum3A_38 : vector<2000xf32> to vector<2000x1xf32>
    %mul3A = arith.constant 0.00699300691 : f32
    %mul3A_39 = vector.broadcast %mul3A : f32 to vector<2000x1xf32>
    %mul3A_40 = arith.mulf %broadcast_in_dim3A, %mul3A_39 : vector<2000x1xf32>
    %mul3A_41 = arith.mulf %add3A_37, %add3A_37 : vector<2000x144xf32>
    %reduce_sum3A_42 = arith.constant dense<0.000000e+00> : vector<2000xf32>
    %reduce_sum3A_43 = vector.multi_reduction <add>, %mul3A_41, %reduce_sum3A_42 [1] : vector<2000x144xf32> to vector<2000xf32>
    %broadcast_in_dim3A_44 = vector.shape_cast %reduce_sum3A_43 : vector<2000xf32> to vector<2000x1xf32>
    %mul3A_45 = arith.constant 0.00699300691 : f32
    %mul3A_46 = vector.broadcast %mul3A_45 : f32 to vector<2000x1xf32>
    %mul3A_47 = arith.mulf %broadcast_in_dim3A_44, %mul3A_46 : vector<2000x1xf32>
    %mul3A_48 = arith.mulf %mul3A_40, %mul3A_40 : vector<2000x1xf32>
    %sub3A = arith.subf %mul3A_47, %mul3A_48 : vector<2000x1xf32>
    %sub3A_49 = vector.broadcast %mul3A_40 : vector<2000x1xf32> to vector<2000x144xf32>
    %sub3A_50 = arith.subf %add3A_37, %sub3A_49 : vector<2000x144xf32>
    %add3A_51 = arith.constant 9.99999974E-6 : f32
    %add3A_52 = vector.broadcast %add3A_51 : f32 to vector<2000x1xf32>
    %add3A_53 = arith.addf %sub3A, %add3A_52 : vector<2000x1xf32>
    %rsqrt3A = math.rsqrt %add3A_53 : vector<2000x1xf32>
    %mul3A_54 = vector.broadcast %rsqrt3A : vector<2000x1xf32> to vector<2000x144xf32>
    %mul3A_55 = arith.mulf %sub3A_50, %mul3A_54 : vector<2000x144xf32>
    %slice3A_56 = vector.extract_strided_slice %get3A_6 {offsets = [2, 0], sizes = [1, 144], strides = [1, 1]} : vector<4x144xf32> to vector<1x144xf32>
    %mul3A_57 = vector.broadcast %slice3A_56 : vector<1x144xf32> to vector<2000x144xf32>
    %mul3A_58 = arith.mulf %mul3A_55, %mul3A_57 : vector<2000x144xf32>
    %slice3A_59 = vector.extract_strided_slice %get3A_6 {offsets = [3, 0], sizes = [1, 144], strides = [1, 1]} : vector<4x144xf32> to vector<1x144xf32>
    %add3A_60 = vector.broadcast %slice3A_59 : vector<1x144xf32> to vector<2000x144xf32>
    %add3A_61 = arith.addf %mul3A_58, %add3A_60 : vector<2000x144xf32>
    %max3A_62 = arith.constant 0.000000e+00 : f32
    %max3A_63 = vector.broadcast %max3A_62 : f32 to vector<2000x144xf32>
    %max3A_64 = arith.maximumf %add3A_61, %max3A_63 : vector<2000x144xf32>
    %add3A_65 = arith.addf %get3A_1, %max3A_64 : vector<2000x144xf32>
    %swap3A = arith.constant 0 : index
    %swap3A_66 = arith.constant 0 : index
    %swap3A_67 = vector.load %arg5[%swap3A, %swap3A_66] : memref<2000x144xf32, #tpu.memory_space<vmem>>, vector<2000x144xf32>
    tpu.vector_store %arg5[%swap3A, %swap3A_66], %add3A_65 {strides = array<i32>} : memref<2000x144xf32, #tpu.memory_space<vmem>>, vector<2000x144xf32>,
    return
  }
  func.func @transform_0(%arg0: i32) -> (i32, i32) {
    %c0_i32 = arith.constant 0 : i32
    %c0_i32_0 = arith.constant 0 : i32
    return %arg0, %c0_i32 : i32, i32
  }
  func.func @transform_1(%arg0: i32) -> (i32, i32, i32) {
    %c0_i32 = arith.constant 0 : i32
    %c0_i32_0 = arith.constant 0 : i32
    %c0_i32_1 = arith.constant 0 : i32
    return %c0_i32, %arg0, %c0_i32_0 : i32, i32, i32
  }
  func.func @transform_2(%arg0: i32) -> (i32, i32, i32) {
    %c0_i32 = arith.constant 0 : i32
    %c0_i32_0 = arith.constant 0 : i32
    %c0_i32_1 = arith.constant 0 : i32
    %c0_i32_2 = arith.constant 0 : i32
    return %c0_i32, %c0_i32_0, %c0_i32_1 : i32, i32, i32
  }
  func.func @transform_3(%arg0: i32) -> (i32, i32, i32) {
    %c0_i32 = arith.constant 0 : i32
    %c0_i32_0 = arith.constant 0 : i32
    %c0_i32_1 = arith.constant 0 : i32
    %c0_i32_2 = arith.constant 0 : i32
    return %c0_i32, %c0_i32_0, %c0_i32_1 : i32, i32, i32
  }
  func.func @transform_4(%arg0: i32) -> (i32, i32) {
    %c0_i32 = arith.constant 0 : i32
    %c0_i32_0 = arith.constant 0 : i32
    return %arg0, %c0_i32 : i32, i32
  }
}

module attributes {stable_mosaic.version = 14 : i64} {
  func.func @_mlp_pool_body(%arg0: i32, %arg1: memref<2000x144xf32, #tpu.memory_space<vmem>>, %arg2: memref<2x2000x144xf32, #tpu.memory_space<vmem>>, %arg3: memref<2x144x144xf32, #tpu.memory_space<vmem>>, %arg4: memref<1x4x144xf32, #tpu.memory_space<vmem>>, %arg5: memref<10000x1xi32, #tpu.memory_space<vmem>>, %arg6: memref<1x10000xi32, #tpu.memory_space<vmem>>, %arg7: memref<64x32xf32, #tpu.memory_space<vmem>>, %arg8: memref<2x144x128xf32, #tpu.memory_space<vmem>>, %arg9: memref<3x128xf32, #tpu.memory_space<vmem>>, %arg10: memref<1x1xf32, #tpu.memory_space<vmem>>, %arg11: memref<32x128xf32, #tpu.memory_space<vmem>>, %arg12: memref<128x2xf32, #tpu.memory_space<vmem>>, %arg13: memref<1x2xf32, #tpu.memory_space<vmem>>, %arg14: memref<64x2xf32, #tpu.memory_space<vmem>>, %arg15: memref<10000x144xf32, #tpu.memory_space<vmem>>) attributes {dimension_semantics = [#tpu.dimension_semantics<arbitrary>], iteration_bounds = array<i64: 6>, scalar_prefetch = 0 : i64, scratch_operands = 1 : i64, tpu.core_type = #tpu.core_type<tc>, window_params = [{transform_indices = @transform_0, window_bounds = array<i64: 2000, 144>}, {transform_indices = @transform_1, window_bounds = array<i64: 2, 2000, 144>}, {transform_indices = @transform_2, window_bounds = array<i64: 2, 144, 144>}, {transform_indices = @transform_3, window_bounds = array<i64: 1, 4, 144>}, {pipeline_mode = #tpu.pipeline_mode<synchronous>, transform_indices = @transform_4, window_bounds = array<i64: 10000, 1>}, {pipeline_mode = #tpu.pipeline_mode<synchronous>, transform_indices = @transform_5, window_bounds = array<i64: 1, 10000>}, {pipeline_mode = #tpu.pipeline_mode<synchronous>, transform_indices = @transform_6, window_bounds = array<i64: 64, 32>}, {pipeline_mode = #tpu.pipeline_mode<synchronous>, transform_indices = @transform_7, window_bounds = array<i64: 2, 144, 128>}, {pipeline_mode = #tpu.pipeline_mode<synchronous>, transform_indices = @transform_8, window_bounds = array<i64: 3, 128>}, {pipeline_mode = #tpu.pipeline_mode<synchronous>, transform_indices = @transform_9, window_bounds = array<i64: 1, 1>}, {pipeline_mode = #tpu.pipeline_mode<synchronous>, transform_indices = @transform_10, window_bounds = array<i64: 32, 128>}, {pipeline_mode = #tpu.pipeline_mode<synchronous>, transform_indices = @transform_11, window_bounds = array<i64: 128, 2>}, {pipeline_mode = #tpu.pipeline_mode<synchronous>, transform_indices = @transform_12, window_bounds = array<i64: 1, 2>}, {pipeline_mode = #tpu.pipeline_mode<synchronous>, transform_indices = @transform_13, window_bounds = array<i64: 64, 2>}]} {
    %lt3A = arith.constant 5 : i32
    %lt3A_0 = arith.cmpi slt, %arg0, %lt3A : i32
    %convert_element_type3A = arith.extui %lt3A_0 : i1 to i32
    %cond3A = arith.constant 0 : i32
    %cond3A_1 = arith.cmpi ne, %convert_element_type3A, %cond3A : i32
    scf.if %cond3A_1 {
      %get3A = arith.constant 0 : index
      %get3A_6 = arith.constant 0 : index
      %get3A_7 = vector.load %arg1[%get3A, %get3A_6] : memref<2000x144xf32, #tpu.memory_space<vmem>>, vector<2000x144xf32>
      %get3A_8 = arith.constant 0 : index
      %get3A_9 = arith.constant 0 : index
      %get3A_10 = arith.constant 0 : index
      %get3A_11 = vector.load %arg4[%get3A_8, %get3A_9, %get3A_10] : memref<1x4x144xf32, #tpu.memory_space<vmem>>, vector<1x4x144xf32>
      %get3A_12 = vector.shape_cast %get3A_11 : vector<1x4x144xf32> to vector<4x144xf32>
      %get3A_13 = arith.constant 0 : index
      %get3A_14 = arith.constant 0 : index
      %get3A_15 = arith.constant 0 : index
      %get3A_16 = vector.load %arg2[%get3A_13, %get3A_14, %get3A_15] : memref<2x2000x144xf32, #tpu.memory_space<vmem>>, vector<1x2000x144xf32>
      %get3A_17 = vector.shape_cast %get3A_16 : vector<1x2000x144xf32> to vector<2000x144xf32>
      %add3A = arith.addf %get3A_7, %get3A_17 : vector<2000x144xf32>
      %get3A_18 = arith.constant 1 : index
      %get3A_19 = arith.constant 0 : index
      %get3A_20 = arith.constant 0 : index
      %get3A_21 = vector.load %arg2[%get3A_18, %get3A_19, %get3A_20] : memref<2x2000x144xf32, #tpu.memory_space<vmem>>, vector<1x2000x144xf32>
      %get3A_22 = vector.shape_cast %get3A_21 : vector<1x2000x144xf32> to vector<2000x144xf32>
      %add3A_23 = arith.addf %add3A, %get3A_22 : vector<2000x144xf32>
      %get3A_24 = arith.constant 0 : index
      %get3A_25 = arith.constant 0 : index
      %get3A_26 = arith.constant 0 : index
      %get3A_27 = vector.load %arg3[%get3A_24, %get3A_25, %get3A_26] : memref<2x144x144xf32, #tpu.memory_space<vmem>>, vector<1x144x144xf32>
      %get3A_28 = vector.shape_cast %get3A_27 : vector<1x144x144xf32> to vector<144x144xf32>
      %dot_general3A = arith.constant dense<0.000000e+00> : vector<2000x144xf32>
      %dot_general3A_29 = tpu.matmul %add3A_23, %get3A_28, %dot_general3A {dimension_numbers = #tpu.dot_dimension_numbers<[1], [0], [0], [1], [0, 0, 1, 1], [], []>, transpose_lhs_hint = false} : vector<2000x144xf32>, vector<144x144xf32>, vector<2000x144xf32> -> vector<2000x144xf32>
      %slice3A = vector.extract_strided_slice %get3A_12 {offsets = [0, 0], sizes = [1, 144], strides = [1, 1]} : vector<4x144xf32> to vector<1x144xf32>
      %add3A_30 = vector.broadcast %slice3A : vector<1x144xf32> to vector<2000x144xf32>
      %add3A_31 = arith.addf %dot_general3A_29, %add3A_30 : vector<2000x144xf32>
      %max3A = arith.constant 0.000000e+00 : f32
      %max3A_32 = vector.broadcast %max3A : f32 to vector<2000x144xf32>
      %max3A_33 = arith.maximumf %add3A_31, %max3A_32 : vector<2000x144xf32>
      %get3A_34 = arith.constant 1 : index
      %get3A_35 = arith.constant 0 : index
      %get3A_36 = arith.constant 0 : index
      %get3A_37 = vector.load %arg3[%get3A_34, %get3A_35, %get3A_36] : memref<2x144x144xf32, #tpu.memory_space<vmem>>, vector<1x144x144xf32>
      %get3A_38 = vector.shape_cast %get3A_37 : vector<1x144x144xf32> to vector<144x144xf32>
      %dot_general3A_39 = arith.constant dense<0.000000e+00> : vector<2000x144xf32>
      %dot_general3A_40 = tpu.matmul %max3A_33, %get3A_38, %dot_general3A_39 {dimension_numbers = #tpu.dot_dimension_numbers<[1], [0], [0], [1], [0, 0, 1, 1], [], []>, transpose_lhs_hint = false} : vector<2000x144xf32>, vector<144x144xf32>, vector<2000x144xf32> -> vector<2000x144xf32>
      %slice3A_41 = vector.extract_strided_slice %get3A_12 {offsets = [1, 0], sizes = [1, 144], strides = [1, 1]} : vector<4x144xf32> to vector<1x144xf32>
      %add3A_42 = vector.broadcast %slice3A_41 : vector<1x144xf32> to vector<2000x144xf32>
      %add3A_43 = arith.addf %dot_general3A_40, %add3A_42 : vector<2000x144xf32>
      %reduce_sum3A = arith.constant dense<0.000000e+00> : vector<2000xf32>
      %reduce_sum3A_44 = vector.multi_reduction <add>, %add3A_43, %reduce_sum3A [1] : vector<2000x144xf32> to vector<2000xf32>
      %broadcast_in_dim3A = vector.shape_cast %reduce_sum3A_44 : vector<2000xf32> to vector<2000x1xf32>
      %mul3A = arith.constant 0.00699300691 : f32
      %mul3A_45 = vector.broadcast %mul3A : f32 to vector<2000x1xf32>
      %mul3A_46 = arith.mulf %broadcast_in_dim3A, %mul3A_45 : vector<2000x1xf32>
      %mul3A_47 = arith.mulf %add3A_43, %add3A_43 : vector<2000x144xf32>
      %reduce_sum3A_48 = arith.constant dense<0.000000e+00> : vector<2000xf32>
      %reduce_sum3A_49 = vector.multi_reduction <add>, %mul3A_47, %reduce_sum3A_48 [1] : vector<2000x144xf32> to vector<2000xf32>
      %broadcast_in_dim3A_50 = vector.shape_cast %reduce_sum3A_49 : vector<2000xf32> to vector<2000x1xf32>
      %mul3A_51 = arith.constant 0.00699300691 : f32
      %mul3A_52 = vector.broadcast %mul3A_51 : f32 to vector<2000x1xf32>
      %mul3A_53 = arith.mulf %broadcast_in_dim3A_50, %mul3A_52 : vector<2000x1xf32>
      %mul3A_54 = arith.mulf %mul3A_46, %mul3A_46 : vector<2000x1xf32>
      %sub3A = arith.subf %mul3A_53, %mul3A_54 : vector<2000x1xf32>
      %sub3A_55 = vector.broadcast %mul3A_46 : vector<2000x1xf32> to vector<2000x144xf32>
      %sub3A_56 = arith.subf %add3A_43, %sub3A_55 : vector<2000x144xf32>
      %add3A_57 = arith.constant 9.99999974E-6 : f32
      %add3A_58 = vector.broadcast %add3A_57 : f32 to vector<2000x1xf32>
      %add3A_59 = arith.addf %sub3A, %add3A_58 : vector<2000x1xf32>
      %rsqrt3A = math.rsqrt %add3A_59 : vector<2000x1xf32>
      %mul3A_60 = vector.broadcast %rsqrt3A : vector<2000x1xf32> to vector<2000x144xf32>
      %mul3A_61 = arith.mulf %sub3A_56, %mul3A_60 : vector<2000x144xf32>
      %slice3A_62 = vector.extract_strided_slice %get3A_12 {offsets = [2, 0], sizes = [1, 144], strides = [1, 1]} : vector<4x144xf32> to vector<1x144xf32>
      %mul3A_63 = vector.broadcast %slice3A_62 : vector<1x144xf32> to vector<2000x144xf32>
      %mul3A_64 = arith.mulf %mul3A_61, %mul3A_63 : vector<2000x144xf32>
      %slice3A_65 = vector.extract_strided_slice %get3A_12 {offsets = [3, 0], sizes = [1, 144], strides = [1, 1]} : vector<4x144xf32> to vector<1x144xf32>
      %add3A_66 = vector.broadcast %slice3A_65 : vector<1x144xf32> to vector<2000x144xf32>
      %add3A_67 = arith.addf %mul3A_64, %add3A_66 : vector<2000x144xf32>
      %max3A_68 = arith.constant 0.000000e+00 : f32
      %max3A_69 = vector.broadcast %max3A_68 : f32 to vector<2000x144xf32>
      %max3A_70 = arith.maximumf %add3A_67, %max3A_69 : vector<2000x144xf32>
      %add3A_71 = arith.addf %get3A_7, %max3A_70 : vector<2000x144xf32>
      %mul3A_72 = arith.constant 2000 : i32
      %mul3A_73 = arith.muli %arg0, %mul3A_72 : i32
      %swap3A = arith.index_cast %mul3A_73 : i32 to index
      %swap3A_74 = arith.constant 0 : index
      %swap3A_75 = vector.load %arg15[%swap3A, %swap3A_74] : memref<10000x144xf32, #tpu.memory_space<vmem>>, vector<2000x144xf32>
      tpu.vector_store %arg15[%swap3A, %swap3A_74], %add3A_71 {strides = array<i32>} : memref<10000x144xf32, #tpu.memory_space<vmem>>, vector<2000x144xf32>,
    } else {
    }
    %eq3A = arith.constant 5 : i32
    %eq3A_2 = arith.cmpi eq, %arg0, %eq3A : i32
    %convert_element_type3A_3 = arith.extui %eq3A_2 : i1 to i32
    %cond3A_4 = arith.constant 0 : i32
    %cond3A_5 = arith.cmpi ne, %convert_element_type3A_3, %cond3A_4 : i32
    scf.if %cond3A_5 {
      %get3A = arith.constant 0 : index
      %get3A_6 = arith.constant 0 : index
      %get3A_7 = vector.load %arg15[%get3A, %get3A_6] : memref<10000x144xf32, #tpu.memory_space<vmem>>, vector<10000x144xf32>
      %get3A_8 = arith.constant 0 : index
      %get3A_9 = arith.constant 0 : index
      %get3A_10 = arith.constant 0 : index
      %get3A_11 = vector.load %arg8[%get3A_8, %get3A_9, %get3A_10] : memref<2x144x128xf32, #tpu.memory_space<vmem>>, vector<1x144x128xf32>
      %get3A_12 = vector.shape_cast %get3A_11 : vector<1x144x128xf32> to vector<144x128xf32>
      %dot_general3A = arith.constant dense<0.000000e+00> : vector<10000x128xf32>
      %dot_general3A_13 = tpu.matmul %get3A_7, %get3A_12, %dot_general3A {dimension_numbers = #tpu.dot_dimension_numbers<[1], [0], [0], [1], [0, 0, 1, 1], [], []>, transpose_lhs_hint = false} : vector<10000x144xf32>, vector<144x128xf32>, vector<10000x128xf32> -> vector<10000x128xf32>
      %get3A_14 = arith.constant 0 : index
      %get3A_15 = arith.constant 0 : index
      %get3A_16 = vector.load %arg9[%get3A_14, %get3A_15] : memref<3x128xf32, #tpu.memory_space<vmem>>, vector<1x128xf32>
      %add3A = vector.broadcast %get3A_16 : vector<1x128xf32> to vector<10000x128xf32>
      %add3A_17 = arith.addf %dot_general3A_13, %add3A : vector<10000x128xf32>
      %max3A = arith.constant 0.000000e+00 : f32
      %max3A_18 = vector.broadcast %max3A : f32 to vector<10000x128xf32>
      %max3A_19 = arith.maximumf %add3A_17, %max3A_18 : vector<10000x128xf32>
      %get3A_20 = arith.constant 1 : index
      %get3A_21 = arith.constant 0 : index
      %get3A_22 = vector.load %arg9[%get3A_20, %get3A_21] : memref<3x128xf32, #tpu.memory_space<vmem>>, vector<1x128xf32>
      %mul3A = vector.broadcast %get3A_22 : vector<1x128xf32> to vector<10000x128xf32>
      %mul3A_23 = arith.mulf %max3A_19, %mul3A : vector<10000x128xf32>
      %reduce_sum3A = arith.constant dense<0.000000e+00> : vector<10000xf32>
      %reduce_sum3A_24 = vector.multi_reduction <add>, %mul3A_23, %reduce_sum3A [1] : vector<10000x128xf32> to vector<10000xf32>
      %broadcast_in_dim3A = vector.shape_cast %reduce_sum3A_24 : vector<10000xf32> to vector<10000x1xf32>
      %get3A_25 = arith.constant 0 : index
      %get3A_26 = arith.constant 0 : index
      %get3A_27 = vector.load %arg10[%get3A_25, %get3A_26] : memref<1x1xf32, #tpu.memory_space<vmem>>, vector<1x1xf32>
      %add3A_28 = vector.broadcast %get3A_27 : vector<1x1xf32> to vector<10000x1xf32>
      %add3A_29 = arith.addf %broadcast_in_dim3A, %add3A_28 : vector<10000x1xf32>
      %get3A_30 = arith.constant 0 : index
      %get3A_31 = arith.constant 0 : index
      %get3A_32 = vector.load %arg5[%get3A_30, %get3A_31] : memref<10000x1xi32, #tpu.memory_space<vmem>>, vector<10000x1xi32>
      %iota3A = tpu.iota {dimensions = array<i32: 1>} : vector<1x64xi32>
      %eq3A_33 = vector.broadcast %get3A_32 : vector<10000x1xi32> to vector<10000x64xi32>
      %eq3A_34 = vector.broadcast %iota3A : vector<1x64xi32> to vector<10000x64xi32>
      %eq3A_35 = arith.cmpi eq, %eq3A_33, %eq3A_34 : vector<10000x64xi32>
      %convert_element_type3A_36 = arith.extui %eq3A_35 : vector<10000x64xi1> to vector<10000x64xi32>
      %convert_element_type3A_37 = arith.sitofp %convert_element_type3A_36 : vector<10000x64xi32> to vector<10000x64xf32>
      %jit3A = arith.constant -3.000000e+38 : f32
      %broadcast_in_dim3A_38 = vector.shape_cast %add3A_29 : vector<10000x1xf32> to vector<10000x1xf32>
      %broadcast_in_dim3A_39 = vector.broadcast %broadcast_in_dim3A_38 : vector<10000x1xf32> to vector<10000x64xf32>
      %broadcast_in_dim3A_40 = vector.broadcast %jit3A : f32 to vector<10000x64xf32>
      %select_n3A = arith.select %eq3A_35, %broadcast_in_dim3A_39, %broadcast_in_dim3A_40 : vector<10000x64xi1>, vector<10000x64xf32>
      %reduce_max3A = arith.constant dense<0xFF800000> : vector<64xf32>
      %reduce_max3A_41 = vector.multi_reduction <maximumf>, %select_n3A, %reduce_max3A [0] : vector<10000x64xf32> to vector<64xf32>
      %broadcast_in_dim3A_42 = vector.shape_cast %reduce_max3A_41 : vector<64xf32> to vector<1x64xf32>
      %mul3A_43 = vector.broadcast %broadcast_in_dim3A_42 : vector<1x64xf32> to vector<10000x64xf32>
      %mul3A_44 = arith.mulf %convert_element_type3A_37, %mul3A_43 : vector<10000x64xf32>
      %reduce_sum3A_45 = arith.constant dense<0.000000e+00> : vector<10000xf32>
      %reduce_sum3A_46 = vector.multi_reduction <add>, %mul3A_44, %reduce_sum3A_45 [1] : vector<10000x64xf32> to vector<10000xf32>
      %broadcast_in_dim3A_47 = vector.shape_cast %reduce_sum3A_46 : vector<10000xf32> to vector<10000x1xf32>
      %sub3A = arith.subf %add3A_29, %broadcast_in_dim3A_47 : vector<10000x1xf32>
      %exp3A = math.exp %sub3A : vector<10000x1xf32>
      %mul3A_48 = vector.broadcast %exp3A : vector<10000x1xf32> to vector<10000x64xf32>
      %mul3A_49 = arith.mulf %convert_element_type3A_37, %mul3A_48 : vector<10000x64xf32>
      %reduce_sum3A_50 = arith.constant dense<0.000000e+00> : vector<64xf32>
      %reduce_sum3A_51 = vector.multi_reduction <add>, %mul3A_49, %reduce_sum3A_50 [0] : vector<10000x64xf32> to vector<64xf32>
      %broadcast_in_dim3A_52 = vector.shape_cast %reduce_sum3A_51 : vector<64xf32> to vector<1x64xf32>
      %mul3A_53 = vector.broadcast %broadcast_in_dim3A_52 : vector<1x64xf32> to vector<10000x64xf32>
      %mul3A_54 = arith.mulf %convert_element_type3A_37, %mul3A_53 : vector<10000x64xf32>
      %reduce_sum3A_55 = arith.constant dense<0.000000e+00> : vector<10000xf32>
      %reduce_sum3A_56 = vector.multi_reduction <add>, %mul3A_54, %reduce_sum3A_55 [1] : vector<10000x64xf32> to vector<10000xf32>
      %broadcast_in_dim3A_57 = vector.shape_cast %reduce_sum3A_56 : vector<10000xf32> to vector<10000x1xf32>
      %add3A_58 = arith.constant 1.000000e-16 : f32
      %add3A_59 = vector.broadcast %add3A_58 : f32 to vector<10000x1xf32>
      %add3A_60 = arith.addf %broadcast_in_dim3A_57, %add3A_59 : vector<10000x1xf32>
      %div3A = arith.divf %exp3A, %add3A_60 : vector<10000x1xf32>
      %get3A_61 = arith.constant 0 : index
      %get3A_62 = arith.constant 0 : index
      %get3A_63 = vector.load %arg6[%get3A_61, %get3A_62] : memref<1x10000xi32, #tpu.memory_space<vmem>>, vector<1x10000xi32>
      %iota3A_64 = tpu.iota {dimensions = array<i32: 0>} : vector<64x1xi32>
      %eq3A_65 = vector.broadcast %get3A_63 : vector<1x10000xi32> to vector<64x10000xi32>
      %eq3A_66 = vector.broadcast %iota3A_64 : vector<64x1xi32> to vector<64x10000xi32>
      %eq3A_67 = arith.cmpi eq, %eq3A_65, %eq3A_66 : vector<64x10000xi32>
      %convert_element_type3A_68 = arith.extui %eq3A_67 : vector<64x10000xi1> to vector<64x10000xi32>
      %convert_element_type3A_69 = arith.sitofp %convert_element_type3A_68 : vector<64x10000xi32> to vector<64x10000xf32>
      %mul3A_70 = vector.broadcast %div3A : vector<10000x1xf32> to vector<10000x144xf32>
      %mul3A_71 = arith.mulf %mul3A_70, %get3A_7 : vector<10000x144xf32>
      %dot_general3A_72 = arith.constant dense<0.000000e+00> : vector<64x144xf32>
      %dot_general3A_73 = tpu.matmul %convert_element_type3A_69, %mul3A_71, %dot_general3A_72 {dimension_numbers = #tpu.dot_dimension_numbers<[1], [0], [0], [1], [0, 0, 1, 1], [], []>, transpose_lhs_hint = false} : vector<64x10000xf32>, vector<10000x144xf32>, vector<64x144xf32> -> vector<64x144xf32>
      %get3A_74 = arith.constant 1 : index
      %get3A_75 = arith.constant 0 : index
      %get3A_76 = arith.constant 0 : index
      %get3A_77 = vector.load %arg8[%get3A_74, %get3A_75, %get3A_76] : memref<2x144x128xf32, #tpu.memory_space<vmem>>, vector<1x144x128xf32>
      %get3A_78 = vector.shape_cast %get3A_77 : vector<1x144x128xf32> to vector<144x128xf32>
      %dot_general3A_79 = arith.constant dense<0.000000e+00> : vector<64x128xf32>
      %dot_general3A_80 = tpu.matmul %dot_general3A_73, %get3A_78, %dot_general3A_79 {dimension_numbers = #tpu.dot_dimension_numbers<[1], [0], [0], [1], [0, 0, 1, 1], [], []>, transpose_lhs_hint = false} : vector<64x144xf32>, vector<144x128xf32>, vector<64x128xf32> -> vector<64x128xf32>
      %get3A_81 = arith.constant 0 : index
      %get3A_82 = arith.constant 0 : index
      %get3A_83 = vector.load %arg7[%get3A_81, %get3A_82] : memref<64x32xf32, #tpu.memory_space<vmem>>, vector<64x32xf32>
      %get3A_84 = arith.constant 0 : index
      %get3A_85 = arith.constant 0 : index
      %get3A_86 = vector.load %arg11[%get3A_84, %get3A_85] : memref<32x128xf32, #tpu.memory_space<vmem>>, vector<32x128xf32>
      %dot_general3A_87 = arith.constant dense<0.000000e+00> : vector<64x128xf32>
      %dot_general3A_88 = tpu.matmul %get3A_83, %get3A_86, %dot_general3A_87 {dimension_numbers = #tpu.dot_dimension_numbers<[1], [0], [0], [1], [0, 0, 1, 1], [], []>, transpose_lhs_hint = false} : vector<64x32xf32>, vector<32x128xf32>, vector<64x128xf32> -> vector<64x128xf32>
      %add3A_89 = arith.addf %dot_general3A_80, %dot_general3A_88 : vector<64x128xf32>
      %get3A_90 = arith.constant 2 : index
      %get3A_91 = arith.constant 0 : index
      %get3A_92 = vector.load %arg9[%get3A_90, %get3A_91] : memref<3x128xf32, #tpu.memory_space<vmem>>, vector<1x128xf32>
      %add3A_93 = vector.broadcast %get3A_92 : vector<1x128xf32> to vector<64x128xf32>
      %add3A_94 = arith.addf %add3A_89, %add3A_93 : vector<64x128xf32>
      %max3A_95 = arith.constant 0.000000e+00 : f32
      %max3A_96 = vector.broadcast %max3A_95 : f32 to vector<64x128xf32>
      %max3A_97 = arith.maximumf %add3A_94, %max3A_96 : vector<64x128xf32>
      %get3A_98 = arith.constant 0 : index
      %get3A_99 = arith.constant 0 : index
      %get3A_100 = vector.load %arg12[%get3A_98, %get3A_99] : memref<128x2xf32, #tpu.memory_space<vmem>>, vector<128x2xf32>
      %dot_general3A_101 = arith.constant dense<0.000000e+00> : vector<64x2xf32>
      %dot_general3A_102 = tpu.matmul %max3A_97, %get3A_100, %dot_general3A_101 {dimension_numbers = #tpu.dot_dimension_numbers<[1], [0], [0], [1], [0, 0, 1, 1], [], []>, transpose_lhs_hint = false} : vector<64x128xf32>, vector<128x2xf32>, vector<64x2xf32> -> vector<64x2xf32>
      %get3A_103 = arith.constant 0 : index
      %get3A_104 = arith.constant 0 : index
      %get3A_105 = vector.load %arg13[%get3A_103, %get3A_104] : memref<1x2xf32, #tpu.memory_space<vmem>>, vector<1x2xf32>
      %add3A_106 = vector.broadcast %get3A_105 : vector<1x2xf32> to vector<64x2xf32>
      %add3A_107 = arith.addf %dot_general3A_102, %add3A_106 : vector<64x2xf32>
      %swap3A = arith.constant 0 : index
      %swap3A_108 = arith.constant 0 : index
      %swap3A_109 = vector.load %arg14[%swap3A, %swap3A_108] : memref<64x2xf32, #tpu.memory_space<vmem>>, vector<64x2xf32>
      tpu.vector_store %arg14[%swap3A, %swap3A_108], %add3A_107 {strides = array<i32>} : memref<64x2xf32, #tpu.memory_space<vmem>>, vector<64x2xf32>,
    } else {
    }
    return
  }
  func.func @transform_0(%arg0: i32) -> (i32, i32) {
    %min3A = arith.constant 4 : i32
    %min3A_0 = arith.minsi %arg0, %min3A : i32
    %c0_i32 = arith.constant 0 : i32
    %c0_i32_1 = arith.constant 0 : i32
    return %min3A_0, %c0_i32 : i32, i32
  }
  func.func @transform_1(%arg0: i32) -> (i32, i32, i32) {
    %min3A = arith.constant 4 : i32
    %min3A_0 = arith.minsi %arg0, %min3A : i32
    %c0_i32 = arith.constant 0 : i32
    %c0_i32_1 = arith.constant 0 : i32
    %c0_i32_2 = arith.constant 0 : i32
    return %c0_i32, %min3A_0, %c0_i32_1 : i32, i32, i32
  }
  func.func @transform_2(%arg0: i32) -> (i32, i32, i32) {
    %c1_i32 = arith.constant 1 : i32
    %c0_i32 = arith.constant 0 : i32
    %c0_i32_0 = arith.constant 0 : i32
    %c0_i32_1 = arith.constant 0 : i32
    return %c1_i32, %c0_i32, %c0_i32_0 : i32, i32, i32
  }
  func.func @transform_3(%arg0: i32) -> (i32, i32, i32) {
    %c1_i32 = arith.constant 1 : i32
    %c0_i32 = arith.constant 0 : i32
    %c0_i32_0 = arith.constant 0 : i32
    %c0_i32_1 = arith.constant 0 : i32
    return %c1_i32, %c0_i32, %c0_i32_0 : i32, i32, i32
  }
  func.func @transform_4(%arg0: i32) -> (i32, i32) {
    %c0_i32 = arith.constant 0 : i32
    %c0_i32_0 = arith.constant 0 : i32
    %c0_i32_1 = arith.constant 0 : i32
    return %c0_i32, %c0_i32_0 : i32, i32
  }
  func.func @transform_5(%arg0: i32) -> (i32, i32) {
    %c0_i32 = arith.constant 0 : i32
    %c0_i32_0 = arith.constant 0 : i32
    %c0_i32_1 = arith.constant 0 : i32
    return %c0_i32, %c0_i32_0 : i32, i32
  }
  func.func @transform_6(%arg0: i32) -> (i32, i32) {
    %c0_i32 = arith.constant 0 : i32
    %c0_i32_0 = arith.constant 0 : i32
    %c0_i32_1 = arith.constant 0 : i32
    return %c0_i32, %c0_i32_0 : i32, i32
  }
  func.func @transform_7(%arg0: i32) -> (i32, i32, i32) {
    %c0_i32 = arith.constant 0 : i32
    %c0_i32_0 = arith.constant 0 : i32
    %c0_i32_1 = arith.constant 0 : i32
    %c0_i32_2 = arith.constant 0 : i32
    return %c0_i32, %c0_i32_0, %c0_i32_1 : i32, i32, i32
  }
  func.func @transform_8(%arg0: i32) -> (i32, i32) {
    %c0_i32 = arith.constant 0 : i32
    %c0_i32_0 = arith.constant 0 : i32
    %c0_i32_1 = arith.constant 0 : i32
    return %c0_i32, %c0_i32_0 : i32, i32
  }
  func.func @transform_9(%arg0: i32) -> (i32, i32) {
    %c0_i32 = arith.constant 0 : i32
    %c0_i32_0 = arith.constant 0 : i32
    %c0_i32_1 = arith.constant 0 : i32
    return %c0_i32, %c0_i32_0 : i32, i32
  }
  func.func @transform_10(%arg0: i32) -> (i32, i32) {
    %c0_i32 = arith.constant 0 : i32
    %c0_i32_0 = arith.constant 0 : i32
    %c0_i32_1 = arith.constant 0 : i32
    return %c0_i32, %c0_i32_0 : i32, i32
  }
  func.func @transform_11(%arg0: i32) -> (i32, i32) {
    %c0_i32 = arith.constant 0 : i32
    %c0_i32_0 = arith.constant 0 : i32
    %c0_i32_1 = arith.constant 0 : i32
    return %c0_i32, %c0_i32_0 : i32, i32
  }
  func.func @transform_12(%arg0: i32) -> (i32, i32) {
    %c0_i32 = arith.constant 0 : i32
    %c0_i32_0 = arith.constant 0 : i32
    %c0_i32_1 = arith.constant 0 : i32
    return %c0_i32, %c0_i32_0 : i32, i32
  }
  func.func @transform_13(%arg0: i32) -> (i32, i32) {
    %c0_i32 = arith.constant 0 : i32
    %c0_i32_0 = arith.constant 0 : i32
    %c0_i32_1 = arith.constant 0 : i32
    return %c0_i32, %c0_i32_0 : i32, i32
  }
}

</mosaic_0001>

<sc_bundles>
// kernel: kernel.10.cloned.1.call-start
scs
__scs_entry_jumppad:
0x0: {  	(pc) =	sbr.rel $0x88, $3  }
0x1: {  	(tag) =	ssettag $0x0;
	lr =	simm.s32 $0x1  }
0x2: {  	[smem:$0x3F88] =	sst lr;
	_ =	strace $0xD0000000  }
0x3: {  	_ = 	snop  }
0x4: {  	_ = 	snop  }
0x5: {  	_ = 	snop  }
0x6: {  	_ = 	snop  }
0x7: {  	_ = 	snop  }
__scs_overlays_trampoline_lowered:
0x8: {  	[smem:$0x3F97] =	sst s0  }
0x9: {  	[smem:$0x3F98] =	sst s1  }
0xa: {  	[smem:$0x3F99] =	sst s2  }
0xb: {  	[smem:$0x3F9A] =	sst s3  }
0xc: {  	[smem:$0x3F9B] =	sst s4  }
0xd: {  	[smem:$0x3F9C] =	sst s5  }
0xe: {  	[smem:$0x3F9D] =	sst s6  }
0xf: {  	[smem:$0x3F9E] =	sst s7  }
0x10: {  	[smem:$0x3F9F] =	sst s8  }
0x11: {  	[smem:$0x3FA0] =	sst s9;
	s0 =	simm.s32 @!p0 $0x0  }
0x12: {  	s1 =	sld [smem:$0x3F86];
	s0 =	simm.s32 @p0 $0x1  }
0x13: {  	[smem:$0x3FA1] =	sst s0;
	s0 =	simm.s32 @!p1 $0x0  }
0x14: {  	s2 =	sld [smem:$0x3F85];
	s0 =	simm.s32 @p1 $0x1  }
0x15: {  	[smem:$0x3FA2] =	sst s0;
	s0 =	simm.s32 @!p2 $0x0  }
0x16: {  	s3 =	sld [smem:$0x3FDB];
	s0 =	simm.s32 @p2 $0x1  }
0x17: {  	s4 =	simm.s32 $0x1BF5;
	[smem:$0x3FA4] =	sst s0  }
0x18: {  	s0 =	sld [smem:$0x3F87];
	_ =	swait.ge [sflag:s4], $0x0  }
0x19: {  	s7 =	sld [smem:$0x3F88]  }
0x1a: {  	s8 =	sadd.s32 $0xFFFFE003, lr  }
0x1b: {  	s9 =	sadd.s32 $0xFFFFFEF7, lr;
	s5 =	simm.s32 $0xFFFFFFFF;
	p2 =	slt.u32 s8, $0xFFFFF086  }
0x1c: {  	p1 =	slt.u32 s9, $0xF7A;
	s5 =	simm.s32 @!p2 $0x0  }
0x1d: {  	s5 =	simm.s32 @p1 $0x1;
	p0 =	seq.s32 s7, s2  }
0x1e: {  	s7 =	smul.u32 @!p0 $0xF7A, s2;
	p2 =	seq.s32 @!p0 s5, $0x0  }
0x1f: {  	s9 =	smul.u32 $0xF7A, s1;
	s8 =	simm.s32 @!p0 $0x1BF5;
	p2 =	por !p2, p0  }
0x20: {  	[sflag:s8] =	ssyncset.s32 @!p0 $0xFFFFF086;
	s6 =	sadd.s32 @!p0 s3, s7;
	s7 =	simm.s32 @!p0 $0x108  }
0x21: {  	s3 =	sadd.s32 s3, s9;
	s6 =	sadd.s32 @!p0 $0x88, s6;
	s7 =	simm.s32 @p2 $0x1082  }
0x22: {  	[simem:s7], [sflag:s8] =	dma.local @!p0 [hbm:s6], $0xF7A  }
0x23: {  	s9 =	sor.u32 $0xD0000000, s2;
	s6 =	simm.s32 $0x108;
	_ =	swait.ge @!p0 [sflag:s8], $0x0  }
0x24: {  	s3 =	sadd.s32 $0x88, s3;
	s6 =	simm.s32 @!p1 $0x1082;
	[sflag:s4] =	ssyncset.s32 $0xFFFFF086  }
0x25: {  	[simem:s6], [sflag:s4] =	dma.local [hbm:s3], $0xF7A  }
0x26: {  	[smem:$0x3F88] =	sst s1;
	(tag) =	ssettag s2;
	_ =	strace s9  }
0x27: {  	s1 =	sld [smem:$0x3F98]  }
0x28: {  	s2 =	sld [smem:$0x3F99]  }
0x29: {  	s4 =	sld [smem:$0x3F9B]  }
0x2a: {  	p0 =	seq.s32 s5, $0x0;
	s5 =	sld [smem:$0x3F9C]  }
0x2b: {  	s6 =	sld [smem:$0x3F9D]  }
0x2c: {  	s7 =	sld [smem:$0x3F9E]  }
0x2d: {  	s3 =	simm.s32 $0x108;
	s8 =	sld [smem:$0x3F9F]  }
0x2e: {  	s3 =	simm.s32 @!p0 $0x1082;
	s9 =	sld [smem:$0x3FA0]  }
0x2f: {  	lr =	sadd.s32 s0, s3;
	s0 =	sld [smem:$0x3F97]  }
0x30: {  	s3 =	sld [smem:$0x3F9A]  }
0x31: {  	[smem:$0x3FA3] =	sst s10  }
0x32: {  	s10 =	sld [smem:$0x3FA1];
	_ =	sdelay $0x3  }
0x33: {  	p0 =	seq.s32 s10, $0x1;
	s10 =	sld [smem:$0x3FA3];
	_ =	sdelay $0x3  }
0x34: {  	[smem:$0x3FA3] =	sst s10  }
0x35: {  	s10 =	sld [smem:$0x3FA2];
	_ =	sdelay $0x3  }
0x36: {  	p1 =	seq.s32 s10, $0x1;
	s10 =	sld [smem:$0x3FA3];
	_ =	sdelay $0x3  }
0x37: {  	[smem:$0x3FA3] =	sst s10  }
0x38: {  	s10 =	sld [smem:$0x3FA4]  }
0x39: {  	_ = 	snop;
	(pc) =	sbr.ind lr, $3  }
0x3a: {  	_ = 	snop  }
0x3b: {  	_ = 	snop  }
0x3c: {  	p2 =	seq.s32 s10, $0x1;
	s10 =	sld [smem:$0x3FA3]  }
0x3d: {  	_ =	shalt  }
0x3e: {  	_ =	shalt  }
0x3f: {  	_ =	shalt  }
0x40: {  	_ =	shalt  }
0x41: {  	_ =	shalt  }
0x42: {  	_ =	shalt  }
0x43: {  	_ =	shalt  }
0x44: {  	_ =	shalt  }
0x45: {  	_ =	shalt  }
0x46: {  	_ =	shalt  }
0x47: {  	_ =	shalt  }
0x48: {  	_ =	shalt  }
0x49: {  	_ =	shalt  }
0x4a: {  	_ =	shalt  }
0x4b: {  	_ =	shalt  }
0x4c: {  	_ =	shalt  }
0x4d: {  	_ =	shalt  }
0x4e: {  	_ =	shalt  }
0x4f: {  	_ =	shalt  }
0x50: {  	_ =	shalt  }
0x51: {  	_ =	shalt  }
0x52: {  	_ =	shalt  }
0x53: {  	_ =	shalt  }
0x54: {  	_ =	shalt  }
0x55: {  	_ =	shalt  }
0x56: {  	_ =	shalt  }
0x57: {  	_ =	shalt  }
0x58: {  	_ =	shalt  }
0x59: {  	_ =	shalt  }
0x5a: {  	_ =	shalt  }
0x5b: {  	_ =	shalt  }
0x5c: {  	_ =	shalt  }
0x5d: {  	_ =	shalt  }
0x5e: {  	_ =	shalt  }
0x5f: {  	_ =	shalt  }
0x60: {  	_ =	shalt  }
0x61: {  	_ =	shalt  }
0x62: {  	_ =	shalt  }
0x63: {  	_ =	shalt  }
0x64: {  	_ =	shalt  }
0x65: {  	_ =	shalt  }
0x66: {  	_ =	shalt  }
0x67: {  	_ =	shalt  }
0x68: {  	_ =	shalt  }
0x69: {  	_ =	shalt  }
0x6a: {  	_ =	shalt  }
0x6b: {  	_ =	shalt  }
0x6c: {  	_ =	shalt  }
0x6d: {  	_ =	shalt  }
0x6e: {  	_ =	shalt  }
0x6f: {  	_ =	shalt  }
0x70: {  	_ =	shalt  }
0x71: {  	_ =	shalt  }
0x72: {  	_ =	shalt  }
0x73: {  	_ =	shalt  }
0x74: {  	_ =	shalt  }
0x75: {  	_ =	shalt  }
0x76: {  	_ =	shalt  }
0x77: {  	_ =	shalt  }
0x78: {  	_ =	shalt  }
0x79: {  	_ =	shalt  }
0x7a: {  	_ =	shalt  }
0x7b: {  	_ =	shalt  }
0x7c: {  	_ =	shalt  }
0x7d: {  	_ =	shalt  }
0x7e: {  	_ =	shalt  }
0x7f: {  	_ =	shalt  }
0x80: {  	_ =	shalt  }
0x81: {  	_ =	shalt  }
0x82: {  	_ =	shalt  }
0x83: {  	_ =	shalt  }
0x84: {  	_ =	shalt  }
0x85: {  	_ =	shalt  }
0x86: {  	_ =	shalt  }
0x87: {  	_ =	shalt  }
.Lfunc_end0:
.L_simem_size_0:
called_computation.1_lowered:
.L_overlay_start_0:
0x88: {  	s2 =	sld [smem:$0x3FD9]  }
0x89: {  	s3 =	sld [smem:$0x3FFE];
	_ =	sdelay $0x1  }
0x8a: {  	s1 =	srdreg.scid  }
0x8b: {  	s0 =	sand.u32 $0x1, s1  }
0x8c: {  	s16 =	sshll.u32 s0, $0xA;
	s2 =	sadd.s32 s3, s2  }
0x8d: {  	s2 =	sadd.s32 s2, s16  }
0x8e: {  	[smem:$0x3FAF] =	sst s2  }
0x8f: {  	_ = 	snop  }
0x90: {  	(tm) =	ssettm $0x1  }
0x91: {  	s17 =	sld [smem:$0x3FFB];
	_ =	sdelay $0x3  }
0x92: {  	_ =	strace s17  }
0x93: {  	s2 =	sld [smem:$0x3FFC];
	_ =	sdelay $0x3  }
0x94: {  	_ =	strace s2  }
0x95: {  	s2 =	sld [smem:$0x3FFD];
	_ =	sdelay $0x3  }
0x96: {  	_ =	strace s2  }
0x97: {  	_ =	strace $0x8FFFFFFF  }
0x98: {  	s18 =	sld [smem:$0x3FDB];
	_ =	sdelay $0x1  }
0x99: {  	s19 =	simm.s32 $_scs_section_size  }
0x9a: {  	s4 =	simm.s32 $_size__tile_overlayer_lowered;
	s5 =	simm.s32 $_tile_overlayer_lowered  }
0x9b: {  	s22 =	simm.s32 $0x1BFF;
	s21 =	sshll.u32 s5, $0x1;
	s2 =	sadd.s32 s19, s18  }
0x9c: {  	s6 =	simm.s32 $0x0;
	s20 =	sshll.u32 s4, $0x1;
	s4 =	sadd.s32 s21, s2  }
0x9d: {  	[timem:s6], [sflag:s22] =	dma.local [hbm:s4], s20  }
0x9e: {  	_ =	swait.ge [sflag:s22], s20  }
0x9f: {  	s3 =	ssub.s32 $0x0, s20;
	[sflag:s22] =	ssyncset.done $0x0  }
0xa0: {  	[sflag:s22] =	ssyncadd.s32 s3;
	_ =	sdelay $0x1  }
0xa1: {  	s23 =	simm.s32 $0x1B8B  }
0xa2: {  	_ =	swait.ge [sflag:s23], $0x1  }
0xa3: {  	[sflag:s23] =	ssyncset.done $0x0  }
0xa4: {  	s25 =	simm.s32 $0x1B8E;
	s24 =	sld [smem:$0x3FFE];
	[sflag:s23] =	ssyncadd.s32 $0xFFFFFFFF  }
0xa5: {  	s26 =	simm.s32 $execute0_lowered;
	[smem:$0x3FD2] =	sst s25  }
0xa6: {  	s4 =	sshll.u32 s26, $0x1;
	_ =	strace $0x80000049;
	[dreg:$0x1] =	wrdreg $0xFFFFFFFF  }
0xa7: {  	s28 =	simm.s32 $_size_execute0_lowered;
	s2 =	sadd.s32 s2, s4;
	[dreg:$0x0] =	wrdreg $0x0  }
0xa8: {  	s4 =	sshll.u32 s28, $0x1;
	[dreg:$0x2] =	wrdreg s2  }
0xa9: {  	[dreg:$0x3] =	wrdreg s4  }
0xaa: {  	[dreg:$0x4] =	wrdreg $0xC0  }
0xab: {  	_ =	task [dreg:s6], $0x5FFFF  }
0xac: {  	[dreg:$0x1] =	wrdreg $0xFFFFFFFF  }
0xad: {  	[dreg:$0x0] =	wrdreg $0x60  }
0xae: {  	[dreg:$0x2] =	wrdreg s24  }
0xaf: {  	[dreg:$0x3] =	wrdreg $0x9C400  }
0xb0: {  	[dreg:$0x4] =	wrdreg $0x9  }
0xb1: {  	_ =	task.clear_ibuf [dreg:s6], $0x5FFFF;
	_ =	strace $0x90000049  }
0xb2: {  	s29 =	simm.s32 $0x9;
	_ =	strace $0x8000004B  }
0xb3: {  	_ =	swait.ge [sflag:s29], $0x1  }
0xb4: {  	[sflag:s29] =	ssyncadd.s32 $0xFFFFFFFF  }
0xb5: {  	_ =	strace $0x9000004B  }
0xb6: {  	_ =	sfence  }
0xb7: {  	s30 =	sld [smem:$0x0];
	_ =	sdelay $0x2  }
0xb8: {  	s31 =	sshll.u32 s1, $0xD;
	s1 =	sshrl.u32 s1, $0x2  }
0xb9: {  	s3 =	sand.u32 $0x4000, s31;
	s1 =	sadd.s32 s1, s30  }
0xba: {  	s0 =	sor.u32 s3, s0;
	s1 =	sshll.u32 s1, $0x11  }
0xbb: {  	s0 =	sor.u32 s1, s0  }
0xbc: {  	s0 =	sadd.s32 $0x8F2B, s0  }
0xbd: {  	[sflag:s0] =	ssyncadd.remote.s32 $0x1  }
0xbe: {  	_ =	sfence.sel $0xFFFF  }
0xbf: {  	[dreg:$0x0] =	wrdreg $0xFFFFFFFF;
	(pc) =	sbr.abs _section_cstart, $3  }
0xc0: {  	[dreg:$0x1] =	wrdreg $0xFFFFFFFF  }
0xc1: {  	_ =	task.clear_ibuf [dreg:s6], $0x2FFFF;
	_ =	strace $0x9FFFFFFF  }
0xc2: {  	(tm) =	ssettm $0x7FFFFFFF  }
0xc3: {  	_ =	shalt  }
tec
execute0_lowered:
.L_overlay_start_1:
0x0: {  	(tag) =	ssettag $0x1  }
0x1: {  	s0 =	rddreg [dreg:$0x0]  }
0x2: {  	s1 =	rddreg [dreg:$0x1];
	s3 =	simm.s32 $0x0;
	s2 =	srdreg.scid  }
0x3: {  	s7 =	stileid.u32;
	s14 =	simm.s32 $0x15E0;
	s15 =	simm.s32 $0x32  }
0x4: {  	s16 =	simm.s32 $0x2BC0;
	s17 =	simm.s32 $0x38;
	s18 =	simm.s32 $0x47E0  }
0x5: {  	s19 =	simm.s32 $0x70;
	s20 =	simm.s32 $0x6400;
	s21 =	simm.s32 $0x1  }
0x6: {  	s22 =	simm.s32 $0x8020;
	s28 =	simm.s32 $0x2AE0;
	s29 =	simm.s32 $0x2B18  }
0x7: {  	s30 =	simm.s32 $0x2B50;
	s31 =	simm.s32 $0x2B88;
	[smem:$0x7FF] =	sst s3  }
0x8: {  	s2 =	sand.u32 $0x1, s2;
	s8 =	smul.u32 $0x2BF2, s7;
	s4 =	sadd.s32 $0x1A200, s0  }
0x9: {  	s5 =	sadd.s32 $0xF200, s0;
	s6 =	sadd.s32 $0x4200, s0;
	s10 =	sadd.s32 $0x46200, s0  }
0xa: {  	s11 =	smul.u32 $0x57E40, s7;
	s26 =	sshll.u32 s7, $0x6;
	_ =	strace $0x8000004A  }
0xb: {  	s9 =	smul.u32 $0x2BF20, s2;
	s23 =	ssub.s32 $0x2, s2;
	s2 =	sshll.u32 s2, $0x4  }
0xc: {  	[dreg:$0x3] =	wrdreg s10;
	s24 =	sshrl.u32 s23, $0x1;
	s2 =	sor.u32 s7, s2  }
0xd: {  	s25 =	sshrl.u32 s11, $0x2;
	s8 =	sadd.s32 s8, s9;
	s12 =	ssub.s32 s23, s24  }
0xe: {  	s13 =	sadd.s32 s25, s1;
	s9 =	smul.u32 $0xC8, s2;
	s23 =	simm.s32 $0x2  }
0xf: {  	s24 =	simm.s32 $0x3;
	s25 =	simm.s32 $0x4;
	s0 =	sadd.s32 s8, s0  }
0x10: {  	s8 =	sor.u32 $0x1C05, s26;
	s11 =	smax.u32 s12, $0x1;
	s12 =	sshrl.u32 s13, $0x3  }
0x11: {  	s13 =	simm.s32 $0x5;
	s26 =	simm.s32 $0x15A8;
	s10 =	sadd.s32 $0x97000, s0  }
.LBB2_1:
0x12: {  	s0 =	rddreg [dreg:$0x3]  }
0x13: {  	[spmem:s12], [sflag:s8] =	dma.local [hbm:s0], $0x2BF2  }
0x14: {  	_ =	swait.ge [sflag:s13], $0x2BF2  }
0x15: {  	[sflag:s13] =	ssyncset.done $0x0  }
0x16: {  	[sflag:s13] =	ssyncadd.s32 $0xFFFFD40E  }
0x17: {  	p1 =	por $0x1, $0x1;
	s0 =	simm.s32 $0x0;
	[bflag:$0x0] =	sbarrier.arrive $0xFFFF  }
.LBB2_2:
0x18: {  	s0 =	sadd.s32 s9, s0  }
0x19: {  	s0 =	smul.u32 $0x7, s0;
	_ =	sdelay $0x1  }
0x1a: {  	s7 =	simm.s32 $0x0;
	s2 =	sadd.s32 s5, s0  }
0x1b: {  	[tilespmem:s7], [sflag:$0x5] =	stream.linear.gather [hbm4b:s2+s7], $0x15E0, $0x38;
	[tilespmem:$0x1FBD0] =	vst v63  }
0x1c: {  	_ =	swait.ge [sflag:s13], $0x15E0  }
0x1d: {  	[sflag:s13] =	ssyncset.done $0x0  }
0x1e: {  	s0 =	sadd.s32 s6, s0;
	[sflag:s13] =	ssyncadd.s32 $0xFFFFEA20  }
0x1f: {  	[tilespmem:s14], [sflag:$0x5] =	stream.linear.gather [hbm4b:s0+s7], $0x15E0, $0x38;
	[tilespmem:$0x1FBD0] =	vst v63  }
0x20: {  	_ =	swait.ge [sflag:s13], $0x15E0  }
0x21: {  	[sflag:s13] =	ssyncset.done $0x0  }
0x22: {  	[sflag:s13] =	ssyncadd.s32 $0xFFFFEA20  }
0x23: {  	[tilespmem:s16], [sflag:$0x1] =	stream.indirect.gather [hbm4b:s4+s15], $0x90, s7, s15, $0xb8;
	[tilespmem:$0x1FBD0] =	vst v63  }
0x24: {  	_ = 	snop  }
0x25: {  	[tilespmem:s18], [sflag:$0x2] =	stream.indirect.gather [hbm4b:s4+s15], $0x90, s17, s15, $0xb8;
	[tilespmem:$0x1FBD0] =	vst v63  }
0x26: {  	_ = 	snop  }
0x27: {  	[tilespmem:s20], [sflag:$0x3] =	stream.indirect.gather [hbm4b:s4+s15], $0x90, s19, s15, $0xb8;
	[tilespmem:$0x1FBD0] =	vst v63  }
0x28: {  	_ =	swait.ge [sflag:s21], $0x1C20  }
0x29: {  	[sflag:s21] =	ssyncset.done $0x0  }
0x2a: {  	s2 =	simm.s32 $0xA8;
	[sflag:s21] =	ssyncadd.s32 $0xFFFFE3E0  }
0x2b: {  	[tilespmem:s22], [sflag:$0x4] =	stream.indirect.gather [hbm4b:s4+s15], $0x90, s2, s15, $0xb8;
	[tilespmem:$0x1FBD0] =	vst v63  }
0x2c: {  	s7 =	simm.s32 $0x15E0  }
0x2d: {  	[spmem:s1] =	stream.indirect.scatter.add.f32 [tilespmem:s16], [sflag:$0x5], $0x90, s7, s15, $0xb8;
	[tilespmem:$0x1FBD0] =	vst v63  }
0x2e: {  	_ =	swait.ge [sflag:s13], $0x1C20  }
0x2f: {  	[sflag:s13] =	ssyncset.done $0x0  }
0x30: {  	[sflag:s13] =	ssyncadd.s32 $0xFFFFE3E0  }
0x31: {  	_ =	swait.ge [sflag:s23], $0x1C20  }
0x32: {  	[sflag:s23] =	ssyncset.done $0x0  }
0x33: {  	s2 =	simm.s32 $0xE0;
	[sflag:s23] =	ssyncadd.s32 $0xFFFFE3E0  }
0x34: {  	[tilespmem:s16], [sflag:$0x1] =	stream.indirect.gather [hbm4b:s4+s15], $0x90, s2, s15, $0xb8;
	[tilespmem:$0x1FBD0] =	vst v63  }
0x35: {  	s7 =	simm.s32 $0x1618  }
0x36: {  	[spmem:s1] =	stream.indirect.scatter.add.f32 [tilespmem:s18], [sflag:$0x5], $0x90, s7, s15, $0xb8;
	[tilespmem:$0x1FBD0] =	vst v63  }
0x37: {  	_ =	swait.ge [sflag:s13], $0x1C20  }
0x38: {  	[sflag:s13] =	ssyncset.done $0x0  }
0x39: {  	[sflag:s13] =	ssyncadd.s32 $0xFFFFE3E0  }
0x3a: {  	_ =	swait.ge [sflag:s24], $0x1C20  }
0x3b: {  	[sflag:s24] =	ssyncset.done $0x0  }
0x3c: {  	s2 =	simm.s32 $0x118;
	[sflag:s24] =	ssyncadd.s32 $0xFFFFE3E0  }
0x3d: {  	[tilespmem:s18], [sflag:$0x2] =	stream.indirect.gather [hbm4b:s4+s15], $0x90, s2, s15, $0xb8;
	[tilespmem:$0x1FBD0] =	vst v63  }
0x3e: {  	s7 =	simm.s32 $0x1650  }
0x3f: {  	[spmem:s1] =	stream.indirect.scatter.add.f32 [tilespmem:s20], [sflag:$0x5], $0x90, s7, s15, $0xb8;
	[tilespmem:$0x1FBD0] =	vst v63  }
0x40: {  	_ =	swait.ge [sflag:s13], $0x1C20  }
0x41: {  	[sflag:s13] =	ssyncset.done $0x0  }
0x42: {  	[sflag:s13] =	ssyncadd.s32 $0xFFFFE3E0  }
0x43: {  	_ =	swait.ge [sflag:s25], $0x1C20  }
0x44: {  	[sflag:s25] =	ssyncset.done $0x0  }
0x45: {  	s2 =	simm.s32 $0x150;
	[sflag:s25] =	ssyncadd.s32 $0xFFFFE3E0  }
0x46: {  	[tilespmem:s20], [sflag:$0x3] =	stream.indirect.gather [hbm4b:s4+s15], $0x90, s2, s15, $0xb8;
	[tilespmem:$0x1FBD0] =	vst v63  }
0x47: {  	s7 =	simm.s32 $0x1688  }
0x48: {  	[spmem:s1] =	stream.indirect.scatter.add.f32 [tilespmem:s22], [sflag:$0x5], $0x90, s7, s15, $0xb8;
	[tilespmem:$0x1FBD0] =	vst v63  }
0x49: {  	_ =	swait.ge [sflag:s13], $0x1C20  }
0x4a: {  	p0 =	por p1, p1;
	s0 =	simm.s32 $0x380;
	[sflag:s13] =	ssyncset.done $0x0  }
.LBB2_3:
0x4b: {  	p1 =	sne.s32 s0, $0x5080  }
0x4c: {  	[sflag:s13] =	ssyncadd.s32 $0xFFFFE3E0;
	s2 =	smov.u32 s0;
	s0 =	sadd.s32 $0x380, s0  }
0x4d: {  	_ = 	snop  }
0x4e: {  	_ =	swait.ge [sflag:s21], $0x1C20  }
0x4f: {  	s2 =	sshra.s32 s2, $0x2;
	[sflag:s21] =	ssyncset.done $0x0  }
0x50: {  	s7 =	sadd.s32 $0xA8, s2;
	[sflag:s21] =	ssyncadd.s32 $0xFFFFE3E0  }
0x51: {  	[tilespmem:s22], [sflag:$0x4] =	stream.indirect.gather [hbm4b:s4+s15], $0x90, s7, s15, $0xb8;
	[tilespmem:$0x1FBD0] =	vst v63  }
0x52: {  	s7 =	sadd.s32 $0x15E0, s2  }
0x53: {  	[spmem:s1] =	stream.indirect.scatter.add.f32 [tilespmem:s16], [sflag:$0x5], $0x90, s7, s15, $0xb8;
	[tilespmem:$0x1FBD0] =	vst v63  }
0x54: {  	_ =	swait.ge [sflag:s13], $0x1C20  }
0x55: {  	[sflag:s13] =	ssyncset.done $0x0  }
0x56: {  	[sflag:s13] =	ssyncadd.s32 $0xFFFFE3E0  }
0x57: {  	_ =	swait.ge [sflag:s23], $0x1C20  }
0x58: {  	[sflag:s23] =	ssyncset.done $0x0  }
0x59: {  	s7 =	sadd.s32 $0xE0, s2;
	[sflag:s23] =	ssyncadd.s32 $0xFFFFE3E0  }
0x5a: {  	[tilespmem:s16], [sflag:$0x1] =	stream.indirect.gather [hbm4b:s4+s15], $0x90, s7, s15, $0xb8;
	[tilespmem:$0x1FBD0] =	vst v63  }
0x5b: {  	s7 =	sadd.s32 $0x1618, s2  }
0x5c: {  	[spmem:s1] =	stream.indirect.scatter.add.f32 [tilespmem:s18], [sflag:$0x5], $0x90, s7, s15, $0xb8;
	[tilespmem:$0x1FBD0] =	vst v63  }
0x5d: {  	_ =	swait.ge [sflag:s13], $0x1C20  }
0x5e: {  	[sflag:s13] =	ssyncset.done $0x0  }
0x5f: {  	[sflag:s13] =	ssyncadd.s32 $0xFFFFE3E0  }
0x60: {  	_ =	swait.ge [sflag:s24], $0x1C20  }
0x61: {  	[sflag:s24] =	ssyncset.done $0x0  }
0x62: {  	s7 =	sadd.s32 $0x118, s2;
	[sflag:s24] =	ssyncadd.s32 $0xFFFFE3E0  }
0x63: {  	[tilespmem:s18], [sflag:$0x2] =	stream.indirect.gather [hbm4b:s4+s15], $0x90, s7, s15, $0xb8;
	[tilespmem:$0x1FBD0] =	vst v63  }
0x64: {  	s7 =	sadd.s32 $0x1650, s2  }
0x65: {  	[spmem:s1] =	stream.indirect.scatter.add.f32 [tilespmem:s20], [sflag:$0x5], $0x90, s7, s15, $0xb8;
	[tilespmem:$0x1FBD0] =	vst v63  }
0x66: {  	_ =	swait.ge [sflag:s13], $0x1C20  }
0x67: {  	[sflag:s13] =	ssyncset.done $0x0  }
0x68: {  	[sflag:s13] =	ssyncadd.s32 $0xFFFFE3E0  }
0x69: {  	_ =	swait.ge [sflag:s25], $0x1C20  }
0x6a: {  	[sflag:s25] =	ssyncset.done $0x0  }
0x6b: {  	s7 =	sadd.s32 $0x150, s2;
	[sflag:s25] =	ssyncadd.s32 $0xFFFFE3E0  }
0x6c: {  	[tilespmem:s20], [sflag:$0x3] =	stream.indirect.gather [hbm4b:s4+s15], $0x90, s7, s15, $0xb8;
	[tilespmem:$0x1FBD0] =	vst v63  }
.Ltmp0:
0x6d: {  	_ = 	snop;
	(pc) =	sbr.rel @p1 .LBB2_3-.Ltmp0, $4  }
0x6e: {  	s2 =	sadd.s32 $0x1688, s2  }
0x6f: {  	[spmem:s1] =	stream.indirect.scatter.add.f32 [tilespmem:s22], [sflag:$0x5], $0x90, s2, s15, $0xb8;
	[tilespmem:$0x1FBD0] =	vst v63  }
0x70: {  	_ =	swait.ge [sflag:s13], $0x1C20  }
0x71: {  	[sflag:s13] =	ssyncset.done $0x0  }
0x72: {  	[sflag:s13] =	ssyncadd.s32 $0xFFFFE3E0  }
0x73: {  	_ =	swait.ge [sflag:s21], $0x1C20  }
0x74: {  	[sflag:s21] =	ssyncset.done $0x0  }
0x75: {  	[sflag:s21] =	ssyncadd.s32 $0xFFFFE3E0  }
0x76: {  	[tilespmem:s22], [sflag:$0x4] =	stream.indirect.gather [hbm4b:s4+s15], $0x90, s26, s15, $0xb8;
	[tilespmem:$0x1FBD0] =	vst v63  }
0x77: {  	_ = 	snop  }
0x78: {  	[spmem:s1] =	stream.indirect.scatter.add.f32 [tilespmem:s16], [sflag:$0x5], $0x90, s28, s15, $0xb8;
	[tilespmem:$0x1FBD0] =	vst v63  }
0x79: {  	_ =	swait.ge [sflag:s13], $0x1C20  }
0x7a: {  	[sflag:s13] =	ssyncset.done $0x0  }
0x7b: {  	[sflag:s13] =	ssyncadd.s32 $0xFFFFE3E0  }
0x7c: {  	_ =	swait.ge [sflag:s23], $0x1C20  }
0x7d: {  	[sflag:s23] =	ssyncset.done $0x0  }
0x7e: {  	[sflag:s23] =	ssyncadd.s32 $0xFFFFE3E0  }
0x7f: {  	[spmem:s1] =	stream.indirect.scatter.add.f32 [tilespmem:s18], [sflag:$0x5], $0x90, s29, s15, $0xb8;
	[tilespmem:$0x1FBD0] =	vst v63  }
0x80: {  	_ =	swait.ge [sflag:s13], $0x1C20  }
0x81: {  	[sflag:s13] =	ssyncset.done $0x0  }
0x82: {  	[sflag:s13] =	ssyncadd.s32 $0xFFFFE3E0  }
0x83: {  	_ =	swait.ge [sflag:s24], $0x1C20  }
0x84: {  	[sflag:s24] =	ssyncset.done $0x0  }
0x85: {  	[sflag:s24] =	ssyncadd.s32 $0xFFFFE3E0  }
0x86: {  	[spmem:s1] =	stream.indirect.scatter.add.f32 [tilespmem:s20], [sflag:$0x5], $0x90, s30, s15, $0xb8;
	[tilespmem:$0x1FBD0] =	vst v63  }
0x87: {  	_ =	swait.ge [sflag:s13], $0x1C20  }
0x88: {  	[sflag:s13] =	ssyncset.done $0x0  }
0x89: {  	[sflag:s13] =	ssyncadd.s32 $0xFFFFE3E0  }
0x8a: {  	_ =	swait.ge [sflag:s25], $0x1C20  }
0x8b: {  	[sflag:s25] =	ssyncset.done $0x0  }
.Ltmp1:
0x8c: {  	[sflag:s25] =	ssyncadd.s32 $0xFFFFE3E0;
	(pc) =	sbr.rel @p0 .LBB2_2-.Ltmp1, $4  }
0x8d: {  	[spmem:s1] =	stream.indirect.scatter.add.f32 [tilespmem:s22], [sflag:$0x5], $0x90, s31, s15, $0xb8;
	[tilespmem:$0x1FBD0] =	vst v63  }
0x8e: {  	_ =	swait.ge [sflag:s13], $0x1C20  }
0x8f: {  	[sflag:s13] =	ssyncset.done $0x0  }
0x90: {  	s0 =	simm.s32 $0x64;
	p1 =	por $0x0, $0x0;
	[sflag:s13] =	ssyncadd.s32 $0xFFFFE3E0  }
0x91: {  	s3 =	sadd.s32 $0x1, s3  }
0x92: {  	p0 =	sne.s32 s3, s11  }
.Ltmp2:
0x93: {  	[bflag:$0x0] =	sbarrier.arrive $0xFFFF;
	(pc) =	sbr.rel @p0 .LBB2_1-.Ltmp2, $4  }
0x94: {  	[hbm:s10], [sflag:s8] =	dma.local [spmem:s12], $0x2BF2  }
0x95: {  	_ =	swait.ge [sflag:s13], $0x2BF2  }
0x96: {  	[sflag:s13] =	ssyncset.done $0x0  }
0x97: {  	[sflag:s13] =	ssyncadd.s32 $0xFFFFD40E  }
0x98: {  	_ =	sfence.sel $0x180000  }
0x99: {  	[bflag:$0x0] =	sbarrier.arrive $0xFFFF  }
0x9a: {  	_ =	strace $0x9000004A  }
0x9b: {  	s0 =	stileid.u32;
	[bflag:$0x2] =	sbarrier.arrive $0xFFFF  }
0x9c: {  	p0 =	sne.s32 s0, $0x0;
	s0 =	rddreg [dreg:$0x2]  }
0x9d: {  	s0 =	sadd.s32 @!p0 $0x100000, s0  }
0x9e: {  	[sflag:s0] =	ssyncadd.tile.s32 @!p0 $0x1;
	_ =	shalt  }
.Lfunc_end2:
_tile_overlayer_lowered:
.L_overlay_start_2:
0x9f: {  	(tag) =	ssettag $0x2  }
0xa0: {  	s0 =	rddreg [dreg:$0x0];
	s2 =	stileid.u32  }
0xa1: {  	s1 =	rddreg [dreg:$0x1];
	p0 =	sne.s32 s2, $0x0  }
0xa2: {  	s3 =	rddreg [dreg:$0x2];
	[bflag:$0x3] =	sbarrier.arrive $0xFFFF;
	s2 =	simm.s32 @!p0 $0x1C05  }
0xa3: {  	[timem:s3], [sflag:s2] =	dma.local @!p0 [hbm:s0], s1  }
0xa4: {  	s0 =	simm.s32 @!p0 $0x5  }
0xa5: {  	_ =	swait.ge @!p0 [sflag:s0], s1  }
0xa6: {  	s1 =	ssub.s32 @!p0 $0x0, s1;
	[sflag:s0] =	ssyncset.done @!p0 $0x0  }
0xa7: {  	[sflag:s0] =	ssyncadd.s32 @!p0 s1  }
0xa8: {  	[bflag:$0x3] =	sbarrier.arrive $0xFFFF  }
0xa9: {  	_ =	shalt  }

// kernel: kernel.7.cloned.1.call-start
scs
__scs_entry_jumppad:
0x0: {  	(pc) =	sbr.rel $0x88, $3  }
0x1: {  	(tag) =	ssettag $0x0;
	lr =	simm.s32 $0x1  }
0x2: {  	[smem:$0x3F88] =	sst lr;
	_ =	strace $0xD0000000  }
0x3: {  	_ = 	snop  }
0x4: {  	_ = 	snop  }
0x5: {  	_ = 	snop  }
0x6: {  	_ = 	snop  }
0x7: {  	_ = 	snop  }
__scs_overlays_trampoline_lowered:
0x8: {  	[smem:$0x3F97] =	sst s0  }
0x9: {  	[smem:$0x3F98] =	sst s1  }
0xa: {  	[smem:$0x3F99] =	sst s2  }
0xb: {  	[smem:$0x3F9A] =	sst s3  }
0xc: {  	[smem:$0x3F9B] =	sst s4  }
0xd: {  	[smem:$0x3F9C] =	sst s5  }
0xe: {  	[smem:$0x3F9D] =	sst s6  }
0xf: {  	[smem:$0x3F9E] =	sst s7  }
0x10: {  	[smem:$0x3F9F] =	sst s8  }
0x11: {  	[smem:$0x3FA0] =	sst s9;
	s0 =	simm.s32 @!p0 $0x0  }
0x12: {  	s1 =	sld [smem:$0x3F86];
	s0 =	simm.s32 @p0 $0x1  }
0x13: {  	[smem:$0x3FA1] =	sst s0;
	s0 =	simm.s32 @!p1 $0x0  }
0x14: {  	s2 =	sld [smem:$0x3F85];
	s0 =	simm.s32 @p1 $0x1  }
0x15: {  	[smem:$0x3FA2] =	sst s0;
	s0 =	simm.s32 @!p2 $0x0  }
0x16: {  	s3 =	sld [smem:$0x3FDB];
	s0 =	simm.s32 @p2 $0x1  }
0x17: {  	s4 =	simm.s32 $0x1BF5;
	[smem:$0x3FA4] =	sst s0  }
0x18: {  	s0 =	sld [smem:$0x3F87];
	_ =	swait.ge [sflag:s4], $0x0  }
0x19: {  	s7 =	sld [smem:$0x3F88]  }
0x1a: {  	s8 =	sadd.s32 $0xFFFFE003, lr  }
0x1b: {  	s9 =	sadd.s32 $0xFFFFFEF7, lr;
	s5 =	simm.s32 $0xFFFFFFFF;
	p2 =	slt.u32 s8, $0xFFFFF086  }
0x1c: {  	p1 =	slt.u32 s9, $0xF7A;
	s5 =	simm.s32 @!p2 $0x0  }
0x1d: {  	s5 =	simm.s32 @p1 $0x1;
	p0 =	seq.s32 s7, s2  }
0x1e: {  	s7 =	smul.u32 @!p0 $0xF7A, s2;
	p2 =	seq.s32 @!p0 s5, $0x0  }
0x1f: {  	s9 =	smul.u32 $0xF7A, s1;
	s8 =	simm.s32 @!p0 $0x1BF5;
	p2 =	por !p2, p0  }
0x20: {  	[sflag:s8] =	ssyncset.s32 @!p0 $0xFFFFF086;
	s6 =	sadd.s32 @!p0 s3, s7;
	s7 =	simm.s32 @!p0 $0x108  }
0x21: {  	s3 =	sadd.s32 s3, s9;
	s6 =	sadd.s32 @!p0 $0x88, s6;
	s7 =	simm.s32 @p2 $0x1082  }
0x22: {  	[simem:s7], [sflag:s8] =	dma.local @!p0 [hbm:s6], $0xF7A  }
0x23: {  	s9 =	sor.u32 $0xD0000000, s2;
	s6 =	simm.s32 $0x108;
	_ =	swait.ge @!p0 [sflag:s8], $0x0  }
0x24: {  	s3 =	sadd.s32 $0x88, s3;
	s6 =	simm.s32 @!p1 $0x1082;
	[sflag:s4] =	ssyncset.s32 $0xFFFFF086  }
0x25: {  	[simem:s6], [sflag:s4] =	dma.local [hbm:s3], $0xF7A  }
0x26: {  	[smem:$0x3F88] =	sst s1;
	(tag) =	ssettag s2;
	_ =	strace s9  }
0x27: {  	s1 =	sld [smem:$0x3F98]  }
0x28: {  	s2 =	sld [smem:$0x3F99]  }
0x29: {  	s4 =	sld [smem:$0x3F9B]  }
0x2a: {  	p0 =	seq.s32 s5, $0x0;
	s5 =	sld [smem:$0x3F9C]  }
0x2b: {  	s6 =	sld [smem:$0x3F9D]  }
0x2c: {  	s7 =	sld [smem:$0x3F9E]  }
0x2d: {  	s3 =	simm.s32 $0x108;
	s8 =	sld [smem:$0x3F9F]  }
0x2e: {  	s3 =	simm.s32 @!p0 $0x1082;
	s9 =	sld [smem:$0x3FA0]  }
0x2f: {  	lr =	sadd.s32 s0, s3;
	s0 =	sld [smem:$0x3F97]  }
0x30: {  	s3 =	sld [smem:$0x3F9A]  }
0x31: {  	[smem:$0x3FA3] =	sst s10  }
0x32: {  	s10 =	sld [smem:$0x3FA1];
	_ =	sdelay $0x3  }
0x33: {  	p0 =	seq.s32 s10, $0x1;
	s10 =	sld [smem:$0x3FA3];
	_ =	sdelay $0x3  }
0x34: {  	[smem:$0x3FA3] =	sst s10  }
0x35: {  	s10 =	sld [smem:$0x3FA2];
	_ =	sdelay $0x3  }
0x36: {  	p1 =	seq.s32 s10, $0x1;
	s10 =	sld [smem:$0x3FA3];
	_ =	sdelay $0x3  }
0x37: {  	[smem:$0x3FA3] =	sst s10  }
0x38: {  	s10 =	sld [smem:$0x3FA4]  }
0x39: {  	_ = 	snop;
	(pc) =	sbr.ind lr, $3  }
0x3a: {  	_ = 	snop  }
0x3b: {  	_ = 	snop  }
0x3c: {  	p2 =	seq.s32 s10, $0x1;
	s10 =	sld [smem:$0x3FA3]  }
0x3d: {  	_ =	shalt  }
0x3e: {  	_ =	shalt  }
0x3f: {  	_ =	shalt  }
0x40: {  	_ =	shalt  }
0x41: {  	_ =	shalt  }
0x42: {  	_ =	shalt  }
0x43: {  	_ =	shalt  }
0x44: {  	_ =	shalt  }
0x45: {  	_ =	shalt  }
0x46: {  	_ =	shalt  }
0x47: {  	_ =	shalt  }
0x48: {  	_ =	shalt  }
0x49: {  	_ =	shalt  }
0x4a: {  	_ =	shalt  }
0x4b: {  	_ =	shalt  }
0x4c: {  	_ =	shalt  }
0x4d: {  	_ =	shalt  }
0x4e: {  	_ =	shalt  }
0x4f: {  	_ =	shalt  }
0x50: {  	_ =	shalt  }
0x51: {  	_ =	shalt  }
0x52: {  	_ =	shalt  }
0x53: {  	_ =	shalt  }
0x54: {  	_ =	shalt  }
0x55: {  	_ =	shalt  }
0x56: {  	_ =	shalt  }
0x57: {  	_ =	shalt  }
0x58: {  	_ =	shalt  }
0x59: {  	_ =	shalt  }
0x5a: {  	_ =	shalt  }
0x5b: {  	_ =	shalt  }
0x5c: {  	_ =	shalt  }
0x5d: {  	_ =	shalt  }
0x5e: {  	_ =	shalt  }
0x5f: {  	_ =	shalt  }
0x60: {  	_ =	shalt  }
0x61: {  	_ =	shalt  }
0x62: {  	_ =	shalt  }
0x63: {  	_ =	shalt  }
0x64: {  	_ =	shalt  }
0x65: {  	_ =	shalt  }
0x66: {  	_ =	shalt  }
0x67: {  	_ =	shalt  }
0x68: {  	_ =	shalt  }
0x69: {  	_ =	shalt  }
0x6a: {  	_ =	shalt  }
0x6b: {  	_ =	shalt  }
0x6c: {  	_ =	shalt  }
0x6d: {  	_ =	shalt  }
0x6e: {  	_ =	shalt  }
0x6f: {  	_ =	shalt  }
0x70: {  	_ =	shalt  }
0x71: {  	_ =	shalt  }
0x72: {  	_ =	shalt  }
0x73: {  	_ =	shalt  }
0x74: {  	_ =	shalt  }
0x75: {  	_ =	shalt  }
0x76: {  	_ =	shalt  }
0x77: {  	_ =	shalt  }
0x78: {  	_ =	shalt  }
0x79: {  	_ =	shalt  }
0x7a: {  	_ =	shalt  }
0x7b: {  	_ =	shalt  }
0x7c: {  	_ =	shalt  }
0x7d: {  	_ =	shalt  }
0x7e: {  	_ =	shalt  }
0x7f: {  	_ =	shalt  }
0x80: {  	_ =	shalt  }
0x81: {  	_ =	shalt  }
0x82: {  	_ =	shalt  }
0x83: {  	_ =	shalt  }
0x84: {  	_ =	shalt  }
0x85: {  	_ =	shalt  }
0x86: {  	_ =	shalt  }
0x87: {  	_ =	shalt  }
.Lfunc_end0:
.L_simem_size_0:
called_computation_lowered:
.L_overlay_start_0:
0x88: {  	s2 =	sld [smem:$0x3FD9]  }
0x89: {  	s3 =	sld [smem:$0x3FFE];
	_ =	sdelay $0x1  }
0x8a: {  	s1 =	srdreg.scid  }
0x8b: {  	s0 =	sand.u32 $0x1, s1  }
0x8c: {  	s16 =	sshll.u32 s0, $0xA;
	s2 =	sadd.s32 s3, s2  }
0x8d: {  	s2 =	sadd.s32 s2, s16  }
0x8e: {  	[smem:$0x3FAF] =	sst s2  }
0x8f: {  	_ = 	snop  }
0x90: {  	(tm) =	ssettm $0x1  }
0x91: {  	s17 =	sld [smem:$0x3FFB];
	_ =	sdelay $0x3  }
0x92: {  	_ =	strace s17  }
0x93: {  	s2 =	sld [smem:$0x3FFC];
	_ =	sdelay $0x3  }
0x94: {  	_ =	strace s2  }
0x95: {  	s2 =	sld [smem:$0x3FFD];
	_ =	sdelay $0x3  }
0x96: {  	_ =	strace s2  }
0x97: {  	_ =	strace $0x8FFFFFFF  }
0x98: {  	s18 =	sld [smem:$0x3FDB];
	_ =	sdelay $0x1  }
0x99: {  	s19 =	simm.s32 $_scs_section_size  }
0x9a: {  	s4 =	simm.s32 $_size__tile_overlayer_lowered;
	s5 =	simm.s32 $_tile_overlayer_lowered  }
0x9b: {  	s22 =	simm.s32 $0x1BFF;
	s21 =	sshll.u32 s5, $0x1;
	s2 =	sadd.s32 s19, s18  }
0x9c: {  	s6 =	simm.s32 $0x0;
	s20 =	sshll.u32 s4, $0x1;
	s4 =	sadd.s32 s21, s2  }
0x9d: {  	[timem:s6], [sflag:s22] =	dma.local [hbm:s4], s20  }
0x9e: {  	_ =	swait.ge [sflag:s22], s20  }
0x9f: {  	s3 =	ssub.s32 $0x0, s20;
	[sflag:s22] =	ssyncset.done $0x0  }
0xa0: {  	[sflag:s22] =	ssyncadd.s32 s3;
	_ =	sdelay $0x1  }
0xa1: {  	s23 =	simm.s32 $0x1B8B  }
0xa2: {  	_ =	swait.ge [sflag:s23], $0x1  }
0xa3: {  	[sflag:s23] =	ssyncset.done $0x0  }
0xa4: {  	s25 =	simm.s32 $0x1B8E;
	s24 =	sld [smem:$0x3FFE];
	[sflag:s23] =	ssyncadd.s32 $0xFFFFFFFF  }
0xa5: {  	s26 =	simm.s32 $execute0_lowered;
	[smem:$0x3FD2] =	sst s25  }
0xa6: {  	s4 =	sshll.u32 s26, $0x1;
	_ =	strace $0x80000046;
	[dreg:$0x1] =	wrdreg $0xFFFFFFFF  }
0xa7: {  	s28 =	simm.s32 $_size_execute0_lowered;
	s2 =	sadd.s32 s2, s4;
	[dreg:$0x0] =	wrdreg $0x0  }
0xa8: {  	s4 =	sshll.u32 s28, $0x1;
	[dreg:$0x2] =	wrdreg s2  }
0xa9: {  	[dreg:$0x3] =	wrdreg s4  }
0xaa: {  	[dreg:$0x4] =	wrdreg $0xC0  }
0xab: {  	_ =	task [dreg:s6], $0x5FFFF  }
0xac: {  	[dreg:$0x1] =	wrdreg $0xFFFFFFFF  }
0xad: {  	[dreg:$0x0] =	wrdreg $0x60  }
0xae: {  	[dreg:$0x2] =	wrdreg s24  }
0xaf: {  	[dreg:$0x3] =	wrdreg $0x9C400  }
0xb0: {  	[dreg:$0x4] =	wrdreg $0x9  }
0xb1: {  	_ =	task.clear_ibuf [dreg:s6], $0x5FFFF;
	_ =	strace $0x90000046  }
0xb2: {  	s29 =	simm.s32 $0x9;
	_ =	strace $0x80000048  }
0xb3: {  	_ =	swait.ge [sflag:s29], $0x1  }
0xb4: {  	[sflag:s29] =	ssyncadd.s32 $0xFFFFFFFF  }
0xb5: {  	_ =	strace $0x90000048  }
0xb6: {  	_ =	sfence  }
0xb7: {  	s30 =	sld [smem:$0x0];
	_ =	sdelay $0x2  }
0xb8: {  	s31 =	sshll.u32 s1, $0xD;
	s1 =	sshrl.u32 s1, $0x2  }
0xb9: {  	s3 =	sand.u32 $0x4000, s31;
	s1 =	sadd.s32 s1, s30  }
0xba: {  	s0 =	sor.u32 s3, s0;
	s1 =	sshll.u32 s1, $0x11  }
0xbb: {  	s0 =	sor.u32 s1, s0  }
0xbc: {  	s0 =	sadd.s32 $0x8F2B, s0  }
0xbd: {  	[sflag:s0] =	ssyncadd.remote.s32 $0x1  }
0xbe: {  	_ =	sfence.sel $0xFFFF  }
0xbf: {  	[dreg:$0x0] =	wrdreg $0xFFFFFFFF;
	(pc) =	sbr.abs _section_cstart, $3  }
0xc0: {  	[dreg:$0x1] =	wrdreg $0xFFFFFFFF  }
0xc1: {  	_ =	task.clear_ibuf [dreg:s6], $0x2FFFF;
	_ =	strace $0x9FFFFFFF  }
0xc2: {  	(tm) =	ssettm $0x7FFFFFFF  }
0xc3: {  	_ =	shalt  }
tec
execute0_lowered:
.L_overlay_start_1:
0x0: {  	(tag) =	ssettag $0x1  }
0x1: {  	s0 =	rddreg [dreg:$0x0]  }
0x2: {  	s1 =	rddreg [dreg:$0x1];
	s3 =	simm.s32 $0x0;
	s2 =	srdreg.scid  }
0x3: {  	s7 =	stileid.u32;
	s14 =	simm.s32 $0x15E0;
	s15 =	simm.s32 $0x32  }
0x4: {  	s16 =	simm.s32 $0x2BC0;
	s17 =	simm.s32 $0x38;
	s18 =	simm.s32 $0x47E0  }
0x5: {  	s19 =	simm.s32 $0x70;
	s20 =	simm.s32 $0x6400;
	s21 =	simm.s32 $0x1  }
0x6: {  	s22 =	simm.s32 $0x8020;
	s28 =	simm.s32 $0x2AE0;
	s29 =	simm.s32 $0x2B18  }
0x7: {  	s30 =	simm.s32 $0x2B50;
	s31 =	simm.s32 $0x2B88;
	[smem:$0x7FF] =	sst s3  }
0x8: {  	s2 =	sand.u32 $0x1, s2;
	s8 =	smul.u32 $0x2BF2, s7;
	s4 =	sadd.s32 $0x1A200, s0  }
0x9: {  	s5 =	sadd.s32 $0xF200, s0;
	s6 =	sadd.s32 $0x4200, s0;
	s10 =	sadd.s32 $0x46200, s0  }
0xa: {  	s11 =	smul.u32 $0x57E40, s7;
	s26 =	sshll.u32 s7, $0x6;
	_ =	strace $0x80000047  }
0xb: {  	s9 =	smul.u32 $0x2BF20, s2;
	s23 =	ssub.s32 $0x2, s2;
	s2 =	sshll.u32 s2, $0x4  }
0xc: {  	[dreg:$0x3] =	wrdreg s10;
	s24 =	sshrl.u32 s23, $0x1;
	s2 =	sor.u32 s7, s2  }
0xd: {  	s25 =	sshrl.u32 s11, $0x2;
	s8 =	sadd.s32 s8, s9;
	s12 =	ssub.s32 s23, s24  }
0xe: {  	s13 =	sadd.s32 s25, s1;
	s9 =	smul.u32 $0xC8, s2;
	s23 =	simm.s32 $0x2  }
0xf: {  	s24 =	simm.s32 $0x3;
	s25 =	simm.s32 $0x4;
	s0 =	sadd.s32 s8, s0  }
0x10: {  	s8 =	sor.u32 $0x1C05, s26;
	s11 =	smax.u32 s12, $0x1;
	s12 =	sshrl.u32 s13, $0x3  }
0x11: {  	s13 =	simm.s32 $0x5;
	s26 =	simm.s32 $0x15A8;
	s10 =	sadd.s32 $0x48E00, s0  }
.LBB2_1:
0x12: {  	s0 =	rddreg [dreg:$0x3]  }
0x13: {  	[spmem:s12], [sflag:s8] =	dma.local [hbm:s0], $0x2BF2  }
0x14: {  	_ =	swait.ge [sflag:s13], $0x2BF2  }
0x15: {  	[sflag:s13] =	ssyncset.done $0x0  }
0x16: {  	[sflag:s13] =	ssyncadd.s32 $0xFFFFD40E  }
0x17: {  	p1 =	por $0x1, $0x1;
	s0 =	simm.s32 $0x0;
	[bflag:$0x0] =	sbarrier.arrive $0xFFFF  }
.LBB2_2:
0x18: {  	s0 =	sadd.s32 s9, s0  }
0x19: {  	s0 =	smul.u32 $0x7, s0;
	_ =	sdelay $0x1  }
0x1a: {  	s7 =	simm.s32 $0x0;
	s2 =	sadd.s32 s5, s0  }
0x1b: {  	[tilespmem:s7], [sflag:$0x5] =	stream.linear.gather [hbm4b:s2+s7], $0x15E0, $0x38;
	[tilespmem:$0x1FBD0] =	vst v63  }
0x1c: {  	_ =	swait.ge [sflag:s13], $0x15E0  }
0x1d: {  	[sflag:s13] =	ssyncset.done $0x0  }
0x1e: {  	s0 =	sadd.s32 s6, s0;
	[sflag:s13] =	ssyncadd.s32 $0xFFFFEA20  }
0x1f: {  	[tilespmem:s14], [sflag:$0x5] =	stream.linear.gather [hbm4b:s0+s7], $0x15E0, $0x38;
	[tilespmem:$0x1FBD0] =	vst v63  }
0x20: {  	_ =	swait.ge [sflag:s13], $0x15E0  }
0x21: {  	[sflag:s13] =	ssyncset.done $0x0  }
0x22: {  	[sflag:s13] =	ssyncadd.s32 $0xFFFFEA20  }
0x23: {  	[tilespmem:s16], [sflag:$0x1] =	stream.indirect.gather [hbm4b:s4+s15], $0x90, s7, s15, $0xb8;
	[tilespmem:$0x1FBD0] =	vst v63  }
0x24: {  	_ = 	snop  }
0x25: {  	[tilespmem:s18], [sflag:$0x2] =	stream.indirect.gather [hbm4b:s4+s15], $0x90, s17, s15, $0xb8;
	[tilespmem:$0x1FBD0] =	vst v63  }
0x26: {  	_ = 	snop  }
0x27: {  	[tilespmem:s20], [sflag:$0x3] =	stream.indirect.gather [hbm4b:s4+s15], $0x90, s19, s15, $0xb8;
	[tilespmem:$0x1FBD0] =	vst v63  }
0x28: {  	_ =	swait.ge [sflag:s21], $0x1C20  }
0x29: {  	[sflag:s21] =	ssyncset.done $0x0  }
0x2a: {  	s2 =	simm.s32 $0xA8;
	[sflag:s21] =	ssyncadd.s32 $0xFFFFE3E0  }
0x2b: {  	[tilespmem:s22], [sflag:$0x4] =	stream.indirect.gather [hbm4b:s4+s15], $0x90, s2, s15, $0xb8;
	[tilespmem:$0x1FBD0] =	vst v63  }
0x2c: {  	s7 =	simm.s32 $0x15E0  }
0x2d: {  	[spmem:s1] =	stream.indirect.scatter.add.f32 [tilespmem:s16], [sflag:$0x5], $0x90, s7, s15, $0xb8;
	[tilespmem:$0x1FBD0] =	vst v63  }
0x2e: {  	_ =	swait.ge [sflag:s13], $0x1C20  }
0x2f: {  	[sflag:s13] =	ssyncset.done $0x0  }
0x30: {  	[sflag:s13] =	ssyncadd.s32 $0xFFFFE3E0  }
0x31: {  	_ =	swait.ge [sflag:s23], $0x1C20  }
0x32: {  	[sflag:s23] =	ssyncset.done $0x0  }
0x33: {  	s2 =	simm.s32 $0xE0;
	[sflag:s23] =	ssyncadd.s32 $0xFFFFE3E0  }
0x34: {  	[tilespmem:s16], [sflag:$0x1] =	stream.indirect.gather [hbm4b:s4+s15], $0x90, s2, s15, $0xb8;
	[tilespmem:$0x1FBD0] =	vst v63  }
0x35: {  	s7 =	simm.s32 $0x1618  }
0x36: {  	[spmem:s1] =	stream.indirect.scatter.add.f32 [tilespmem:s18], [sflag:$0x5], $0x90, s7, s15, $0xb8;
	[tilespmem:$0x1FBD0] =	vst v63  }
0x37: {  	_ =	swait.ge [sflag:s13], $0x1C20  }
0x38: {  	[sflag:s13] =	ssyncset.done $0x0  }
0x39: {  	[sflag:s13] =	ssyncadd.s32 $0xFFFFE3E0  }
0x3a: {  	_ =	swait.ge [sflag:s24], $0x1C20  }
0x3b: {  	[sflag:s24] =	ssyncset.done $0x0  }
0x3c: {  	s2 =	simm.s32 $0x118;
	[sflag:s24] =	ssyncadd.s32 $0xFFFFE3E0  }
0x3d: {  	[tilespmem:s18], [sflag:$0x2] =	stream.indirect.gather [hbm4b:s4+s15], $0x90, s2, s15, $0xb8;
	[tilespmem:$0x1FBD0] =	vst v63  }
0x3e: {  	s7 =	simm.s32 $0x1650  }
0x3f: {  	[spmem:s1] =	stream.indirect.scatter.add.f32 [tilespmem:s20], [sflag:$0x5], $0x90, s7, s15, $0xb8;
	[tilespmem:$0x1FBD0] =	vst v63  }
0x40: {  	_ =	swait.ge [sflag:s13], $0x1C20  }
0x41: {  	[sflag:s13] =	ssyncset.done $0x0  }
0x42: {  	[sflag:s13] =	ssyncadd.s32 $0xFFFFE3E0  }
0x43: {  	_ =	swait.ge [sflag:s25], $0x1C20  }
0x44: {  	[sflag:s25] =	ssyncset.done $0x0  }
0x45: {  	s2 =	simm.s32 $0x150;
	[sflag:s25] =	ssyncadd.s32 $0xFFFFE3E0  }
0x46: {  	[tilespmem:s20], [sflag:$0x3] =	stream.indirect.gather [hbm4b:s4+s15], $0x90, s2, s15, $0xb8;
	[tilespmem:$0x1FBD0] =	vst v63  }
0x47: {  	s7 =	simm.s32 $0x1688  }
0x48: {  	[spmem:s1] =	stream.indirect.scatter.add.f32 [tilespmem:s22], [sflag:$0x5], $0x90, s7, s15, $0xb8;
	[tilespmem:$0x1FBD0] =	vst v63  }
0x49: {  	_ =	swait.ge [sflag:s13], $0x1C20  }
0x4a: {  	p0 =	por p1, p1;
	s0 =	simm.s32 $0x380;
	[sflag:s13] =	ssyncset.done $0x0  }
.LBB2_3:
0x4b: {  	p1 =	sne.s32 s0, $0x5080  }
0x4c: {  	[sflag:s13] =	ssyncadd.s32 $0xFFFFE3E0;
	s2 =	smov.u32 s0;
	s0 =	sadd.s32 $0x380, s0  }
0x4d: {  	_ = 	snop  }
0x4e: {  	_ =	swait.ge [sflag:s21], $0x1C20  }
0x4f: {  	s2 =	sshra.s32 s2, $0x2;
	[sflag:s21] =	ssyncset.done $0x0  }
0x50: {  	s7 =	sadd.s32 $0xA8, s2;
	[sflag:s21] =	ssyncadd.s32 $0xFFFFE3E0  }
0x51: {  	[tilespmem:s22], [sflag:$0x4] =	stream.indirect.gather [hbm4b:s4+s15], $0x90, s7, s15, $0xb8;
	[tilespmem:$0x1FBD0] =	vst v63  }
0x52: {  	s7 =	sadd.s32 $0x15E0, s2  }
0x53: {  	[spmem:s1] =	stream.indirect.scatter.add.f32 [tilespmem:s16], [sflag:$0x5], $0x90, s7, s15, $0xb8;
	[tilespmem:$0x1FBD0] =	vst v63  }
0x54: {  	_ =	swait.ge [sflag:s13], $0x1C20  }
0x55: {  	[sflag:s13] =	ssyncset.done $0x0  }
0x56: {  	[sflag:s13] =	ssyncadd.s32 $0xFFFFE3E0  }
0x57: {  	_ =	swait.ge [sflag:s23], $0x1C20  }
0x58: {  	[sflag:s23] =	ssyncset.done $0x0  }
0x59: {  	s7 =	sadd.s32 $0xE0, s2;
	[sflag:s23] =	ssyncadd.s32 $0xFFFFE3E0  }
0x5a: {  	[tilespmem:s16], [sflag:$0x1] =	stream.indirect.gather [hbm4b:s4+s15], $0x90, s7, s15, $0xb8;
	[tilespmem:$0x1FBD0] =	vst v63  }
0x5b: {  	s7 =	sadd.s32 $0x1618, s2  }
0x5c: {  	[spmem:s1] =	stream.indirect.scatter.add.f32 [tilespmem:s18], [sflag:$0x5], $0x90, s7, s15, $0xb8;
	[tilespmem:$0x1FBD0] =	vst v63  }
0x5d: {  	_ =	swait.ge [sflag:s13], $0x1C20  }
0x5e: {  	[sflag:s13] =	ssyncset.done $0x0  }
0x5f: {  	[sflag:s13] =	ssyncadd.s32 $0xFFFFE3E0  }
0x60: {  	_ =	swait.ge [sflag:s24], $0x1C20  }
0x61: {  	[sflag:s24] =	ssyncset.done $0x0  }
0x62: {  	s7 =	sadd.s32 $0x118, s2;
	[sflag:s24] =	ssyncadd.s32 $0xFFFFE3E0  }
0x63: {  	[tilespmem:s18], [sflag:$0x2] =	stream.indirect.gather [hbm4b:s4+s15], $0x90, s7, s15, $0xb8;
	[tilespmem:$0x1FBD0] =	vst v63  }
0x64: {  	s7 =	sadd.s32 $0x1650, s2  }
0x65: {  	[spmem:s1] =	stream.indirect.scatter.add.f32 [tilespmem:s20], [sflag:$0x5], $0x90, s7, s15, $0xb8;
	[tilespmem:$0x1FBD0] =	vst v63  }
0x66: {  	_ =	swait.ge [sflag:s13], $0x1C20  }
0x67: {  	[sflag:s13] =	ssyncset.done $0x0  }
0x68: {  	[sflag:s13] =	ssyncadd.s32 $0xFFFFE3E0  }
0x69: {  	_ =	swait.ge [sflag:s25], $0x1C20  }
0x6a: {  	[sflag:s25] =	ssyncset.done $0x0  }
0x6b: {  	s7 =	sadd.s32 $0x150, s2;
	[sflag:s25] =	ssyncadd.s32 $0xFFFFE3E0  }
0x6c: {  	[tilespmem:s20], [sflag:$0x3] =	stream.indirect.gather [hbm4b:s4+s15], $0x90, s7, s15, $0xb8;
	[tilespmem:$0x1FBD0] =	vst v63  }
.Ltmp0:
0x6d: {  	_ = 	snop;
	(pc) =	sbr.rel @p1 .LBB2_3-.Ltmp0, $4  }
0x6e: {  	s2 =	sadd.s32 $0x1688, s2  }
0x6f: {  	[spmem:s1] =	stream.indirect.scatter.add.f32 [tilespmem:s22], [sflag:$0x5], $0x90, s2, s15, $0xb8;
	[tilespmem:$0x1FBD0] =	vst v63  }
0x70: {  	_ =	swait.ge [sflag:s13], $0x1C20  }
0x71: {  	[sflag:s13] =	ssyncset.done $0x0  }
0x72: {  	[sflag:s13] =	ssyncadd.s32 $0xFFFFE3E0  }
0x73: {  	_ =	swait.ge [sflag:s21], $0x1C20  }
0x74: {  	[sflag:s21] =	ssyncset.done $0x0  }
0x75: {  	[sflag:s21] =	ssyncadd.s32 $0xFFFFE3E0  }
0x76: {  	[tilespmem:s22], [sflag:$0x4] =	stream.indirect.gather [hbm4b:s4+s15], $0x90, s26, s15, $0xb8;
	[tilespmem:$0x1FBD0] =	vst v63  }
0x77: {  	_ = 	snop  }
0x78: {  	[spmem:s1] =	stream.indirect.scatter.add.f32 [tilespmem:s16], [sflag:$0x5], $0x90, s28, s15, $0xb8;
	[tilespmem:$0x1FBD0] =	vst v63  }
0x79: {  	_ =	swait.ge [sflag:s13], $0x1C20  }
0x7a: {  	[sflag:s13] =	ssyncset.done $0x0  }
0x7b: {  	[sflag:s13] =	ssyncadd.s32 $0xFFFFE3E0  }
0x7c: {  	_ =	swait.ge [sflag:s23], $0x1C20  }
0x7d: {  	[sflag:s23] =	ssyncset.done $0x0  }
0x7e: {  	[sflag:s23] =	ssyncadd.s32 $0xFFFFE3E0  }
0x7f: {  	[spmem:s1] =	stream.indirect.scatter.add.f32 [tilespmem:s18], [sflag:$0x5], $0x90, s29, s15, $0xb8;
	[tilespmem:$0x1FBD0] =	vst v63  }
0x80: {  	_ =	swait.ge [sflag:s13], $0x1C20  }
0x81: {  	[sflag:s13] =	ssyncset.done $0x0  }
0x82: {  	[sflag:s13] =	ssyncadd.s32 $0xFFFFE3E0  }
0x83: {  	_ =	swait.ge [sflag:s24], $0x1C20  }
0x84: {  	[sflag:s24] =	ssyncset.done $0x0  }
0x85: {  	[sflag:s24] =	ssyncadd.s32 $0xFFFFE3E0  }
0x86: {  	[spmem:s1] =	stream.indirect.scatter.add.f32 [tilespmem:s20], [sflag:$0x5], $0x90, s30, s15, $0xb8;
	[tilespmem:$0x1FBD0] =	vst v63  }
0x87: {  	_ =	swait.ge [sflag:s13], $0x1C20  }
0x88: {  	[sflag:s13] =	ssyncset.done $0x0  }
0x89: {  	[sflag:s13] =	ssyncadd.s32 $0xFFFFE3E0  }
0x8a: {  	_ =	swait.ge [sflag:s25], $0x1C20  }
0x8b: {  	[sflag:s25] =	ssyncset.done $0x0  }
.Ltmp1:
0x8c: {  	[sflag:s25] =	ssyncadd.s32 $0xFFFFE3E0;
	(pc) =	sbr.rel @p0 .LBB2_2-.Ltmp1, $4  }
0x8d: {  	[spmem:s1] =	stream.indirect.scatter.add.f32 [tilespmem:s22], [sflag:$0x5], $0x90, s31, s15, $0xb8;
	[tilespmem:$0x1FBD0] =	vst v63  }
0x8e: {  	_ =	swait.ge [sflag:s13], $0x1C20  }
0x8f: {  	[sflag:s13] =	ssyncset.done $0x0  }
0x90: {  	s0 =	simm.s32 $0x64;
	p1 =	por $0x0, $0x0;
	[sflag:s13] =	ssyncadd.s32 $0xFFFFE3E0  }
0x91: {  	s3 =	sadd.s32 $0x1, s3  }
0x92: {  	p0 =	sne.s32 s3, s11  }
.Ltmp2:
0x93: {  	[bflag:$0x0] =	sbarrier.arrive $0xFFFF;
	(pc) =	sbr.rel @p0 .LBB2_1-.Ltmp2, $4  }
0x94: {  	[hbm:s10], [sflag:s8] =	dma.local [spmem:s12], $0x2BF2  }
0x95: {  	_ =	swait.ge [sflag:s13], $0x2BF2  }
0x96: {  	[sflag:s13] =	ssyncset.done $0x0  }
0x97: {  	[sflag:s13] =	ssyncadd.s32 $0xFFFFD40E  }
0x98: {  	_ =	sfence.sel $0x180000  }
0x99: {  	[bflag:$0x0] =	sbarrier.arrive $0xFFFF  }
0x9a: {  	_ =	strace $0x90000047  }
0x9b: {  	s0 =	stileid.u32;
	[bflag:$0x2] =	sbarrier.arrive $0xFFFF  }
0x9c: {  	p0 =	sne.s32 s0, $0x0;
	s0 =	rddreg [dreg:$0x2]  }
0x9d: {  	s0 =	sadd.s32 @!p0 $0x100000, s0  }
0x9e: {  	[sflag:s0] =	ssyncadd.tile.s32 @!p0 $0x1;
	_ =	shalt  }
.Lfunc_end2:
_tile_overlayer_lowered:
.L_overlay_start_2:
0x9f: {  	(tag) =	ssettag $0x2  }
0xa0: {  	s0 =	rddreg [dreg:$0x0];
	s2 =	stileid.u32  }
0xa1: {  	s1 =	rddreg [dreg:$0x1];
	p0 =	sne.s32 s2, $0x0  }
0xa2: {  	s3 =	rddreg [dreg:$0x2];
	[bflag:$0x3] =	sbarrier.arrive $0xFFFF;
	s2 =	simm.s32 @!p0 $0x1C05  }
0xa3: {  	[timem:s3], [sflag:s2] =	dma.local @!p0 [hbm:s0], s1  }
0xa4: {  	s0 =	simm.s32 @!p0 $0x5  }
0xa5: {  	_ =	swait.ge @!p0 [sflag:s0], s1  }
0xa6: {  	s1 =	ssub.s32 @!p0 $0x0, s1;
	[sflag:s0] =	ssyncset.done @!p0 $0x0  }
0xa7: {  	[sflag:s0] =	ssyncadd.s32 @!p0 s1  }
0xa8: {  	[bflag:$0x3] =	sbarrier.arrive $0xFFFF  }
0xa9: {  	_ =	shalt  }

</sc_bundles>
